<compile_context>
chip_gen: v7x
topology: tpu7x:2x2x1
jax: 0.10.2.dev20260603
libtpu: 0.0.44.dev20260713+nightly
codegen_flags: <defaults>
</compile_context>

<pallas_src>
import jax
import jax.numpy as jnp
from jax.experimental import pallas as pl
from jax.experimental.pallas import tpu as pltpu
from jax.experimental.pallas import tpu_sc as plsc

def _sc_gather(table, idx):
    batch = idx.shape[0]
    n_cols = table.shape[1]
    mesh = plsc.VectorSubcoreMesh(core_axis_name="c", subcore_axis_name="s")
    n_workers = mesh.num_cores * mesh.num_subcores
    n_per = batch // n_workers

    @pl.kernel(
        out_type=jax.ShapeDtypeStruct((batch, n_cols), table.dtype),
        mesh=mesh,
        scratch_types=[
            pltpu.VMEM((n_per,), jnp.int32),
            pltpu.VMEM((n_per, n_cols), table.dtype),
            pltpu.SemaphoreType.DMA,
        ],
    )
    def gather_kernel(x_hbm, i_hbm, o_hbm, idx_v, rows_v, sem):
        wid = jax.lax.axis_index("s") * mesh.num_cores + jax.lax.axis_index("c")
        base = wid * n_per
        pltpu.sync_copy(i_hbm.at[pl.ds(base, n_per)], idx_v)
        pltpu.async_copy(x_hbm.at[idx_v], rows_v, sem).wait()
        pltpu.sync_copy(rows_v, o_hbm.at[pl.ds(base, n_per)])

    return gather_kernel(table, idx)


_SM_CHUNK = 256


def _gram_softmax_kernel(a_ref, t_ref, hi_ref, a8, hi_st, hi_sems):
    i = pl.program_id(0)
    nb = a_ref.shape[0]
    a8[pl.ds(i * nb, nb), :] = a_ref[...].astype(jnp.float8_e4m3fn)

    @pl.when(i == pl.num_programs(0) - 1)
    def _():
        n_items = a8.shape[1]
        n_chunks = n_items // _SM_CHUNK
        inv_t = 1.0 / t_ref[0, 0]

        def hbm_copy(c, b):
            rows = pl.ds(c * _SM_CHUNK, _SM_CHUNK)
            return pltpu.make_async_copy(hi_st.at[b], hi_ref.at[rows, :], hi_sems.at[b])

        for c in range(n_chunks):
            b = c % 2
            if c >= 2:
                hbm_copy(c - 2, b).wait()
            cols = pl.ds(c * _SM_CHUNK, _SM_CHUNK)
            s = jax.lax.dot_general(
                a8[:, cols],
                a8[...],
                (((0,), (0,)), ((), ())),
                preferred_element_type=jnp.float32,
            )
            m = jnp.max(s, axis=1, keepdims=True)
            e = jnp.exp((s - m) * inv_t)
            r = 1.0 / (jnp.sum(e, axis=1, keepdims=True) + 1e-10)
            hi_st[b] = (e * r).astype(jnp.bfloat16)
            hbm_copy(c, b).start()
        for c in (n_chunks - 2, n_chunks - 1):
            hbm_copy(c, c % 2).wait()


def _scores_kernel(up_ref, hi_ref, out_ref, up16):
    @pl.when(pl.program_id(0) == 0)
    def _():
        up16[...] = up_ref[...].astype(jnp.bfloat16)

    out_ref[...] = jnp.dot(
        up16[...], hi_ref[...], preferred_element_type=jnp.float32
    )


def kernel(users, adj, temperature):
    n_users, n_items = adj.shape
    batch = users.shape[0]
    block_k = 2000

    up = _sc_gather(adj, users.astype(jnp.int32))

    t = jnp.asarray(temperature, jnp.float32).reshape(1, 1)
    hi = pl.pallas_call(
        _gram_softmax_kernel,
        grid=(n_users // block_k,),
        in_specs=[
            pl.BlockSpec((block_k, n_items), lambda i: (i, 0)),
            pl.BlockSpec(memory_space=pltpu.SMEM),
        ],
        out_specs=pl.BlockSpec(memory_space=pl.ANY),
        out_shape=jax.ShapeDtypeStruct((n_items, n_items), jnp.bfloat16),
        scratch_shapes=[
            pltpu.VMEM((n_users, n_items), jnp.float8_e4m3fn),
            pltpu.VMEM((2, _SM_CHUNK, n_items), jnp.bfloat16),
            pltpu.SemaphoreType.DMA((2,)),
        ],
        compiler_params=pltpu.CompilerParams(vmem_limit_bytes=64 * 1024 * 1024),
    )(adj, t)

    block_n = 512
    scores = pl.pallas_call(
        _scores_kernel,
        grid=(n_items // block_n,),
        in_specs=[
            pl.BlockSpec((batch, n_items), lambda i: (0, 0)),
            pl.BlockSpec((n_items, block_n), lambda i: (0, i)),
        ],
        out_specs=pl.BlockSpec((batch, block_n), lambda i: (0, i)),
        out_shape=jax.ShapeDtypeStruct((batch, n_items), jnp.float32),
        scratch_shapes=[pltpu.VMEM((batch, n_items), jnp.bfloat16)],
    )(up, hi)
    return scores

# --- scband reference (transcript-rebuilt; emitter-appended) ---
"""Pipeline reference for scband-raw-symmetric-softmax-29214367547830 (READ-ONLY COPY).

The authoritative reference and input builder live on the scoring server;
editing this copy changes nothing except your own understanding.
"""

import jax, jax.numpy as jnp
import numpy as np

N_USERS = 10000
N_ITEMS = 2048
BATCH = 1024
DENSITY = 0.01

def setup_inputs(seed: int = 0) -> dict:
    key = jax.random.key(seed)
    k1, k2 = jax.random.split(key, 2)
    # binary user-item interaction matrix (dense stand-in for scipy CSR adj_mat)
    adj = (jax.random.uniform(k1, (N_USERS, N_ITEMS)) < DENSITY).astype(jnp.float32)
    users = jax.random.randint(k2, (BATCH,), 0, N_USERS).astype(jnp.int64)
    temperature = jnp.asarray(1.0, dtype=jnp.float32)
    return {"users": users, "adj": adj, "temperature": temperature}

def reference(users, adj, temperature):
    # _setup_similarity: item_sim = adj.T @ adj, then row-wise softmax with temperature
    item_sim = adj.T @ adj  # [n_items, n_items]
    item_sim_scaled = item_sim / temperature
    row_max = jnp.max(item_sim_scaled, axis=1, keepdims=True)
    item_sim_exp = jnp.exp(item_sim_scaled - row_max)
    row_sums = jnp.sum(item_sim_exp, axis=1, keepdims=True)
    item_sim_softmax = item_sim_exp / (row_sums + 1e-10)
    # forward: gather user profiles, multiply by normalized similarity
    user_profiles = jnp.take(adj, users, axis=0)  # [batch, n_items]
    scores = user_profiles @ item_sim_softmax     # [batch, n_items]
    return scores

if __name__ == "__main__":
    import jax
    _d = setup_inputs()
    print(jax.jit(kernel)(*tuple(_d.values())))

</pallas_src>

<mosaic_0001>
#map = affine_map<(d0, d1) -> (0, 0)>
#map1 = affine_map<(d0, d1) -> (0)>
module attributes {stable_mosaic.version = 14 : i64} {
  func.func @gather_kernel(%arg0: i32, %arg1: i32, %arg2: memref<10000x2048xf32, #tpu.memory_space<hbm>>, %arg3: memref<1024xi32, #tpu.memory_space<hbm>>, %arg4: memref<1024x2048xf32, #tpu.memory_space<hbm>>, %arg5: memref<32xi32, #tpu.memory_space<vmem>>, %arg6: memref<32x2048xf32, #tpu.memory_space<vmem>>, %arg7: memref<!tpu.dma_semaphore, #tpu.memory_space<semaphore_mem>>) attributes {dimension_semantics = [#tpu.dimension_semantics<core_parallel>, #tpu.dimension_semantics<subcore_parallel>], iteration_bounds = array<i64: 2, 16>, scalar_prefetch = 0 : i64, scratch_operands = 3 : i64, tpu.core_type = #tpu.core_type<sc_vector_subcore>, window_params = [{transform_indices = #map}, {transform_indices = #map1}, {transform_indices = #map}]} {
    %mul3A = arith.constant 2 : i32
    %mul3A_0 = arith.muli %arg1, %mul3A : i32
    %add3A = arith.addi %mul3A_0, %arg0 : i32
    %mul3A_1 = arith.constant 32 : i32
    %mul3A_2 = arith.muli %add3A, %mul3A_1 : i32
    "tpu.region"() ({
      %run_scoped3A = tpu.sem_alloc : memref<!tpu.dma_semaphore, #tpu.memory_space<semaphore_mem>>
      %dma_start3A_7 = tpu.memref_slice %arg3[%mul3A_2] : memref<1024xi32, #tpu.memory_space<hbm>> -> memref<32xi32, #tpu.memory_space<hbm>>
      %dma_start3A_8 = tpu.memref_slice %arg3[%mul3A_2] : memref<1024xi32, #tpu.memory_space<hbm>> -> memref<32xi32, #tpu.memory_space<hbm>>
      tpu.enqueue_dma source(%dma_start3A_8 : memref<32xi32, #tpu.memory_space<hbm>>) target(%arg5 : memref<32xi32, #tpu.memory_space<vmem>>) target_semaphore(%run_scoped3A : memref<!tpu.dma_semaphore, #tpu.memory_space<semaphore_mem>>)
      %dma_wait3A_9 = tpu.memref_slice %arg3[%mul3A_2] : memref<1024xi32, #tpu.memory_space<hbm>> -> memref<32xi32, #tpu.memory_space<hbm>>
      %dma_wait3A_10 = tpu.memref_slice %arg3[%mul3A_2] : memref<1024xi32, #tpu.memory_space<hbm>> -> memref<32xi32, #tpu.memory_space<hbm>>
      tpu.wait_dma2 semaphore(%run_scoped3A : memref<!tpu.dma_semaphore, #tpu.memory_space<semaphore_mem>>) src(%dma_wait3A_10 : memref<32xi32, #tpu.memory_space<hbm>>) dst(%arg5 : memref<32xi32, #tpu.memory_space<vmem>>)
      tpu.yield
    }) : () -> ()
    %dma_start3A = arith.constant 0 : i32
    %dma_start3A_3 = arith.constant 0 : i32
    %dma_start3A_4 = tpu.memref_slice %arg2[%dma_start3A, %dma_start3A_3] : memref<10000x2048xf32, #tpu.memory_space<hbm>> -> memref<10000x2048xf32, #tpu.memory_space<hbm>>
    tpu.enqueue_indirect_dma source(%dma_start3A_4 : memref<10000x2048xf32, #tpu.memory_space<hbm>>) target(%arg6 : memref<32x2048xf32, #tpu.memory_space<vmem>>) offsets(%arg5 : memref<32xi32, #tpu.memory_space<vmem>>) semaphore(%arg7 : memref<!tpu.dma_semaphore, #tpu.memory_space<semaphore_mem>>)
    %dma_wait3A = arith.constant 0 : i32
    %dma_wait3A_5 = arith.constant 0 : i32
    %dma_wait3A_6 = tpu.memref_slice %arg2[%dma_wait3A, %dma_wait3A_5] : memref<10000x2048xf32, #tpu.memory_space<hbm>> -> memref<10000x2048xf32, #tpu.memory_space<hbm>>
    tpu.wait_indirect_dma semaphore(%arg7 : memref<!tpu.dma_semaphore, #tpu.memory_space<semaphore_mem>>) src(%dma_wait3A_6 : memref<10000x2048xf32, #tpu.memory_space<hbm>>) dst(%arg6 : memref<32x2048xf32, #tpu.memory_space<vmem>>)
    "tpu.region"() ({
      %run_scoped3A = tpu.sem_alloc : memref<!tpu.dma_semaphore, #tpu.memory_space<semaphore_mem>>
      %dma_start3A_7 = arith.constant 0 : i32
      %dma_start3A_8 = tpu.memref_slice %arg4[%mul3A_2, %dma_start3A_7] : memref<1024x2048xf32, #tpu.memory_space<hbm>> -> memref<32x2048xf32, #tpu.memory_space<hbm>>
      %dma_start3A_9 = arith.constant 0 : i32
      %dma_start3A_10 = tpu.memref_slice %arg4[%mul3A_2, %dma_start3A_9] : memref<1024x2048xf32, #tpu.memory_space<hbm>> -> memref<32x2048xf32, #tpu.memory_space<hbm>>
      tpu.enqueue_dma source(%arg6 : memref<32x2048xf32, #tpu.memory_space<vmem>>) target(%dma_start3A_10 : memref<32x2048xf32, #tpu.memory_space<hbm>>) target_semaphore(%run_scoped3A : memref<!tpu.dma_semaphore, #tpu.memory_space<semaphore_mem>>)
      %dma_wait3A_11 = arith.constant 0 : i32
      %dma_wait3A_12 = tpu.memref_slice %arg4[%mul3A_2, %dma_wait3A_11] : memref<1024x2048xf32, #tpu.memory_space<hbm>> -> memref<32x2048xf32, #tpu.memory_space<hbm>>
      %dma_wait3A_13 = arith.constant 0 : i32
      %dma_wait3A_14 = tpu.memref_slice %arg4[%mul3A_2, %dma_wait3A_13] : memref<1024x2048xf32, #tpu.memory_space<hbm>> -> memref<32x2048xf32, #tpu.memory_space<hbm>>
      tpu.wait_dma2 semaphore(%run_scoped3A : memref<!tpu.dma_semaphore, #tpu.memory_space<semaphore_mem>>) src(%arg6 : memref<32x2048xf32, #tpu.memory_space<vmem>>) dst(%dma_wait3A_14 : memref<32x2048xf32, #tpu.memory_space<hbm>>)
      tpu.yield
    }) : () -> ()
    return
  }
}

module attributes {stable_mosaic.version = 14 : i64} {
  func.func @_scores_kernel(%arg0: i32, %arg1: memref<1024x2048xf32, #tpu.memory_space<vmem>>, %arg2: memref<2048x512xbf16, #tpu.memory_space<vmem>>, %arg3: memref<1024x512xf32, #tpu.memory_space<vmem>>, %arg4: memref<1024x2048xbf16, #tpu.memory_space<vmem>>) attributes {dimension_semantics = [#tpu.dimension_semantics<arbitrary>], iteration_bounds = array<i64: 4>, scalar_prefetch = 0 : i64, scratch_operands = 1 : i64, tpu.core_type = #tpu.core_type<tc>, window_params = [{pipeline_mode = #tpu.pipeline_mode<synchronous>, transform_indices = @transform_0, window_bounds = array<i64: 1024, 2048>}, {transform_indices = @transform_1, window_bounds = array<i64: 2048, 512>}, {transform_indices = @transform_2, window_bounds = array<i64: 1024, 512>}]} {
    %eq3A = arith.constant 0 : i32
    %eq3A_0 = arith.cmpi eq, %arg0, %eq3A : i32
    %convert_element_type3A = arith.extui %eq3A_0 : i1 to i32
    %cond3A = arith.constant 0 : i32
    %cond3A_1 = arith.cmpi ne, %convert_element_type3A, %cond3A : i32
    scf.if %cond3A_1 {
      %get3A_10 = arith.constant 0 : index
      %get3A_11 = arith.constant 0 : index
      %get3A_12 = vector.load %arg1[%get3A_10, %get3A_11] : memref<1024x2048xf32, #tpu.memory_space<vmem>>, vector<1024x2048xf32>
      %convert_element_type3A_13 = arith.truncf %get3A_12 : vector<1024x2048xf32> to vector<1024x2048xbf16>
      %swap3A_14 = arith.constant 0 : index
      %swap3A_15 = arith.constant 0 : index
      %swap3A_16 = vector.load %arg4[%swap3A_14, %swap3A_15] : memref<1024x2048xbf16, #tpu.memory_space<vmem>>, vector<1024x2048xbf16>
      tpu.vector_store %arg4[%swap3A_14, %swap3A_15], %convert_element_type3A_13 {strides = array<i32>} : memref<1024x2048xbf16, #tpu.memory_space<vmem>>, vector<1024x2048xbf16>,
    } else {
    }
    %get3A = arith.constant 0 : index
    %get3A_2 = arith.constant 0 : index
    %get3A_3 = vector.load %arg4[%get3A, %get3A_2] : memref<1024x2048xbf16, #tpu.memory_space<vmem>>, vector<1024x2048xbf16>
    %get3A_4 = arith.constant 0 : index
    %get3A_5 = arith.constant 0 : index
    %get3A_6 = vector.load %arg2[%get3A_4, %get3A_5] : memref<2048x512xbf16, #tpu.memory_space<vmem>>, vector<2048x512xbf16>
    %dot_general3A = arith.constant dense<0.000000e+00> : vector<1024x512xf32>
    %dot_general3A_7 = tpu.matmul %get3A_3, %get3A_6, %dot_general3A {dimension_numbers = #tpu.dot_dimension_numbers<[1], [0], [0], [1], [0, 0, 1, 1], [], []>, transpose_lhs_hint = false} : vector<1024x2048xbf16>, vector<2048x512xbf16>, vector<1024x512xf32> -> vector<1024x512xf32>
    %swap3A = arith.constant 0 : index
    %swap3A_8 = arith.constant 0 : index
    %swap3A_9 = vector.load %arg3[%swap3A, %swap3A_8] : memref<1024x512xf32, #tpu.memory_space<vmem>>, vector<1024x512xf32>
    tpu.vector_store %arg3[%swap3A, %swap3A_8], %dot_general3A_7 {strides = array<i32>} : memref<1024x512xf32, #tpu.memory_space<vmem>>, vector<1024x512xf32>,
    return
  }
  func.func @transform_0(%arg0: i32) -> (i32, i32) {
    %c0_i32 = arith.constant 0 : i32
    %c0_i32_0 = arith.constant 0 : i32
    %c0_i32_1 = arith.constant 0 : i32
    return %c0_i32, %c0_i32_0 : i32, i32
  }
  func.func @transform_1(%arg0: i32) -> (i32, i32) {
    %c0_i32 = arith.constant 0 : i32
    %c0_i32_0 = arith.constant 0 : i32
    return %c0_i32, %arg0 : i32, i32
  }
  func.func @transform_2(%arg0: i32) -> (i32, i32) {
    %c0_i32 = arith.constant 0 : i32
    %c0_i32_0 = arith.constant 0 : i32
    return %c0_i32, %arg0 : i32, i32
  }
}

module attributes {stable_mosaic.version = 14 : i64} {
  func.func @_gram_softmax_kernel(%arg0: i32, %arg1: memref<2000x2048xf32, #tpu.memory_space<vmem>>, %arg2: memref<1x1xf32, #tpu.memory_space<smem>>, %arg3: memref<2048x2048xbf16, #tpu.memory_space<any>>, %arg4: memref<10000x2048xf8E4M3FN, #tpu.memory_space<vmem>>, %arg5: memref<2x256x2048xbf16, #tpu.memory_space<vmem>>, %arg6: memref<2x!tpu.dma_semaphore, #tpu.memory_space<semaphore_mem>>) attributes {dimension_semantics = [#tpu.dimension_semantics<arbitrary>], iteration_bounds = array<i64: 5>, scalar_prefetch = 0 : i64, scratch_operands = 3 : i64, tpu.core_type = #tpu.core_type<tc>, window_params = [{transform_indices = @transform_0, window_bounds = array<i64: 2000, 2048>}, {transform_indices = @transform_1, window_bounds = array<i64: 1, 1>}, {}]} {
    %get3A = arith.constant 0 : index
    %get3A_0 = arith.constant 0 : index
    %get3A_1 = vector.load %arg1[%get3A, %get3A_0] : memref<2000x2048xf32, #tpu.memory_space<vmem>>, vector<2000x2048xf32>
    %convert_element_type3A = arith.truncf %get3A_1 : vector<2000x2048xf32> to vector<2000x2048xf8E4M3FN>
    %mul3A = arith.constant 2000 : i32
    %mul3A_2 = arith.muli %arg0, %mul3A : i32
    %swap3A = arith.index_cast %mul3A_2 : i32 to index
    %swap3A_3 = arith.constant 0 : index
    %swap3A_4 = vector.load %arg4[%swap3A, %swap3A_3] : memref<10000x2048xf8E4M3FN, #tpu.memory_space<vmem>>, vector<2000x2048xf8E4M3FN>
    tpu.vector_store %arg4[%swap3A, %swap3A_3], %convert_element_type3A {strides = array<i32>} : memref<10000x2048xf8E4M3FN, #tpu.memory_space<vmem>>, vector<2000x2048xf8E4M3FN>,
    %eq3A = arith.constant 4 : i32
    %eq3A_5 = arith.cmpi eq, %arg0, %eq3A : i32
    %convert_element_type3A_6 = arith.extui %eq3A_5 : i1 to i32
    %cond3A = arith.constant 0 : i32
    %cond3A_7 = arith.cmpi ne, %convert_element_type3A_6, %cond3A : i32
    scf.if %cond3A_7 {
      %get3A_8 = arith.constant 0 : index
      %get3A_9 = arith.constant 0 : index
      %get3A_10 = memref.load %arg2[%get3A_8, %get3A_9] : memref<1x1xf32, #tpu.memory_space<smem>>
      %div3A = arith.constant 1.000000e+00 : f32
      %div3A_11 = arith.divf %div3A, %get3A_10 : f32
      %get3A_12 = arith.constant 0 : index
      %get3A_13 = arith.constant 0 : index
      %get3A_14 = vector.load %arg4[%get3A_12, %get3A_13] : memref<10000x2048xf8E4M3FN, #tpu.memory_space<vmem>>, vector<10000x256xf8E4M3FN>
      %get3A_15 = arith.constant 0 : index
      %get3A_16 = arith.constant 0 : index
      %get3A_17 = vector.load %arg4[%get3A_15, %get3A_16] : memref<10000x2048xf8E4M3FN, #tpu.memory_space<vmem>>, vector<10000x2048xf8E4M3FN>
      %dot_general3A = arith.constant dense<0.000000e+00> : vector<256x2048xf32>
      %dot_general3A_18 = tpu.matmul %get3A_14, %get3A_17, %dot_general3A {dimension_numbers = #tpu.dot_dimension_numbers<[0], [0], [1], [1], [0, 1, 1, 1], [], []>, transpose_lhs_hint = false} : vector<10000x256xf8E4M3FN>, vector<10000x2048xf8E4M3FN>, vector<256x2048xf32> -> vector<256x2048xf32>
      %reduce_max3A = arith.constant dense<0xFF800000> : vector<256xf32>
      %reduce_max3A_19 = vector.multi_reduction <maximumf>, %dot_general3A_18, %reduce_max3A [1] : vector<256x2048xf32> to vector<256xf32>
      %broadcast_in_dim3A = vector.shape_cast %reduce_max3A_19 : vector<256xf32> to vector<256x1xf32>
      %sub3A = vector.broadcast %broadcast_in_dim3A : vector<256x1xf32> to vector<256x2048xf32>
      %sub3A_20 = arith.subf %dot_general3A_18, %sub3A : vector<256x2048xf32>
      %mul3A_21 = vector.broadcast %div3A_11 : f32 to vector<256x2048xf32>
      %mul3A_22 = arith.mulf %sub3A_20, %mul3A_21 : vector<256x2048xf32>
      %exp3A = math.exp %mul3A_22 : vector<256x2048xf32>
      %reduce_sum3A = arith.constant dense<0.000000e+00> : vector<256xf32>
      %reduce_sum3A_23 = vector.multi_reduction <add>, %exp3A, %reduce_sum3A [1] : vector<256x2048xf32> to vector<256xf32>
      %broadcast_in_dim3A_24 = vector.shape_cast %reduce_sum3A_23 : vector<256xf32> to vector<256x1xf32>
      %add3A = arith.constant 1.000000e-10 : f32
      %add3A_25 = vector.broadcast %add3A : f32 to vector<256x1xf32>
      %add3A_26 = arith.addf %broadcast_in_dim3A_24, %add3A_25 : vector<256x1xf32>
      %div3A_27 = arith.constant 1.000000e+00 : f32
      %div3A_28 = vector.broadcast %div3A_27 : f32 to vector<256x1xf32>
      %div3A_29 = arith.divf %div3A_28, %add3A_26 : vector<256x1xf32>
      %mul3A_30 = vector.broadcast %div3A_29 : vector<256x1xf32> to vector<256x2048xf32>
      %mul3A_31 = arith.mulf %exp3A, %mul3A_30 : vector<256x2048xf32>
      %convert_element_type3A_32 = arith.truncf %mul3A_31 : vector<256x2048xf32> to vector<256x2048xbf16>
      %swap3A_33 = arith.constant 0 : index
      %swap3A_34 = arith.constant 0 : index
      %swap3A_35 = arith.constant 0 : index
      %swap3A_36 = vector.load %arg5[%swap3A_33, %swap3A_34, %swap3A_35] : memref<2x256x2048xbf16, #tpu.memory_space<vmem>>, vector<1x256x2048xbf16>
      %swap3A_37 = vector.shape_cast %swap3A_36 : vector<1x256x2048xbf16> to vector<256x2048xbf16>
      %swap3A_38 = vector.shape_cast %convert_element_type3A_32 : vector<256x2048xbf16> to vector<1x256x2048xbf16>
      tpu.vector_store %arg5[%swap3A_33, %swap3A_34, %swap3A_35], %swap3A_38 {strides = array<i32>} : memref<2x256x2048xbf16, #tpu.memory_space<vmem>>, vector<1x256x2048xbf16>,
      %dma_start3A = arith.constant 0 : i32
      %dma_start3A_39 = arith.constant 0 : i32
      %dma_start3A_40 = tpu.memref_slice %arg6[%dma_start3A_39] : memref<2x!tpu.dma_semaphore, #tpu.memory_space<semaphore_mem>> -> memref<1x!tpu.dma_semaphore, #tpu.memory_space<semaphore_mem>>
      %dma_start3A_41 = tpu.memref_squeeze %dma_start3A_40 : memref<1x!tpu.dma_semaphore, #tpu.memory_space<semaphore_mem>> -> memref<!tpu.dma_semaphore, #tpu.memory_space<semaphore_mem>>
      %dma_start3A_42 = arith.constant 0 : i32
      %dma_start3A_43 = arith.constant 0 : i32
      %dma_start3A_44 = tpu.memref_slice %arg3[%dma_start3A_42, %dma_start3A_43] : memref<2048x2048xbf16, #tpu.memory_space<any>> -> memref<256x2048xbf16, #tpu.memory_space<any>>
      %dma_start3A_45 = arith.constant 0 : i32
      %dma_start3A_46 = arith.constant 0 : i32
      %dma_start3A_47 = tpu.memref_slice %arg5[%dma_start3A, %dma_start3A_45, %dma_start3A_46] : memref<2x256x2048xbf16, #tpu.memory_space<vmem>> -> memref<1x256x2048xbf16, #tpu.memory_space<vmem>>
      %dma_start3A_48 = tpu.memref_squeeze %dma_start3A_47 : memref<1x256x2048xbf16, #tpu.memory_space<vmem>> -> memref<256x2048xbf16, #tpu.memory_space<vmem>>
      tpu.enqueue_dma source(%dma_start3A_48 : memref<256x2048xbf16, #tpu.memory_space<vmem>>) target(%dma_start3A_44 : memref<256x2048xbf16, #tpu.memory_space<any>>) target_semaphore(%dma_start3A_41 : memref<!tpu.dma_semaphore, #tpu.memory_space<semaphore_mem>>)
      %get3A_49 = arith.constant 0 : index
      %get3A_50 = arith.constant 256 : index
      %get3A_51 = vector.load %arg4[%get3A_49, %get3A_50] : memref<10000x2048xf8E4M3FN, #tpu.memory_space<vmem>>, vector<10000x256xf8E4M3FN>
      %get3A_52 = arith.constant 0 : index
      %get3A_53 = arith.constant 0 : index
      %get3A_54 = vector.load %arg4[%get3A_52, %get3A_53] : memref<10000x2048xf8E4M3FN, #tpu.memory_space<vmem>>, vector<10000x2048xf8E4M3FN>
      %dot_general3A_55 = arith.constant dense<0.000000e+00> : vector<256x2048xf32>
      %dot_general3A_56 = tpu.matmul %get3A_51, %get3A_54, %dot_general3A_55 {dimension_numbers = #tpu.dot_dimension_numbers<[0], [0], [1], [1], [0, 1, 1, 1], [], []>, transpose_lhs_hint = false} : vector<10000x256xf8E4M3FN>, vector<10000x2048xf8E4M3FN>, vector<256x2048xf32> -> vector<256x2048xf32>
      %reduce_max3A_57 = arith.constant dense<0xFF800000> : vector<256xf32>
      %reduce_max3A_58 = vector.multi_reduction <maximumf>, %dot_general3A_56, %reduce_max3A_57 [1] : vector<256x2048xf32> to vector<256xf32>
      %broadcast_in_dim3A_59 = vector.shape_cast %reduce_max3A_58 : vector<256xf32> to vector<256x1xf32>
      %sub3A_60 = vector.broadcast %broadcast_in_dim3A_59 : vector<256x1xf32> to vector<256x2048xf32>
      %sub3A_61 = arith.subf %dot_general3A_56, %sub3A_60 : vector<256x2048xf32>
      %mul3A_62 = vector.broadcast %div3A_11 : f32 to vector<256x2048xf32>
      %mul3A_63 = arith.mulf %sub3A_61, %mul3A_62 : vector<256x2048xf32>
      %exp3A_64 = math.exp %mul3A_63 : vector<256x2048xf32>
      %reduce_sum3A_65 = arith.constant dense<0.000000e+00> : vector<256xf32>
      %reduce_sum3A_66 = vector.multi_reduction <add>, %exp3A_64, %reduce_sum3A_65 [1] : vector<256x2048xf32> to vector<256xf32>
      %broadcast_in_dim3A_67 = vector.shape_cast %reduce_sum3A_66 : vector<256xf32> to vector<256x1xf32>
      %add3A_68 = arith.constant 1.000000e-10 : f32
      %add3A_69 = vector.broadcast %add3A_68 : f32 to vector<256x1xf32>
      %add3A_70 = arith.addf %broadcast_in_dim3A_67, %add3A_69 : vector<256x1xf32>
      %div3A_71 = arith.constant 1.000000e+00 : f32
      %div3A_72 = vector.broadcast %div3A_71 : f32 to vector<256x1xf32>
      %div3A_73 = arith.divf %div3A_72, %add3A_70 : vector<256x1xf32>
      %mul3A_74 = vector.broadcast %div3A_73 : vector<256x1xf32> to vector<256x2048xf32>
      %mul3A_75 = arith.mulf %exp3A_64, %mul3A_74 : vector<256x2048xf32>
      %convert_element_type3A_76 = arith.truncf %mul3A_75 : vector<256x2048xf32> to vector<256x2048xbf16>
      %swap3A_77 = arith.constant 1 : index
      %swap3A_78 = arith.constant 0 : index
      %swap3A_79 = arith.constant 0 : index
      %swap3A_80 = vector.load %arg5[%swap3A_77, %swap3A_78, %swap3A_79] : memref<2x256x2048xbf16, #tpu.memory_space<vmem>>, vector<1x256x2048xbf16>
      %swap3A_81 = vector.shape_cast %swap3A_80 : vector<1x256x2048xbf16> to vector<256x2048xbf16>
      %swap3A_82 = vector.shape_cast %convert_element_type3A_76 : vector<256x2048xbf16> to vector<1x256x2048xbf16>
      tpu.vector_store %arg5[%swap3A_77, %swap3A_78, %swap3A_79], %swap3A_82 {strides = array<i32>} : memref<2x256x2048xbf16, #tpu.memory_space<vmem>>, vector<1x256x2048xbf16>,
      %dma_start3A_83 = arith.constant 1 : i32
      %dma_start3A_84 = arith.constant 1 : i32
      %dma_start3A_85 = tpu.memref_slice %arg6[%dma_start3A_84] : memref<2x!tpu.dma_semaphore, #tpu.memory_space<semaphore_mem>> -> memref<1x!tpu.dma_semaphore, #tpu.memory_space<semaphore_mem>>
      %dma_start3A_86 = tpu.memref_squeeze %dma_start3A_85 : memref<1x!tpu.dma_semaphore, #tpu.memory_space<semaphore_mem>> -> memref<!tpu.dma_semaphore, #tpu.memory_space<semaphore_mem>>
      %dma_start3A_87 = arith.constant 256 : i32
      %dma_start3A_88 = arith.constant 0 : i32
      %dma_start3A_89 = tpu.memref_slice %arg3[%dma_start3A_87, %dma_start3A_88] : memref<2048x2048xbf16, #tpu.memory_space<any>> -> memref<256x2048xbf16, #tpu.memory_space<any>>
      %dma_start3A_90 = arith.constant 0 : i32
      %dma_start3A_91 = arith.constant 0 : i32
      %dma_start3A_92 = tpu.memref_slice %arg5[%dma_start3A_83, %dma_start3A_90, %dma_start3A_91] : memref<2x256x2048xbf16, #tpu.memory_space<vmem>> -> memref<1x256x2048xbf16, #tpu.memory_space<vmem>>
      %dma_start3A_93 = tpu.memref_squeeze %dma_start3A_92 : memref<1x256x2048xbf16, #tpu.memory_space<vmem>> -> memref<256x2048xbf16, #tpu.memory_space<vmem>>
      tpu.enqueue_dma source(%dma_start3A_93 : memref<256x2048xbf16, #tpu.memory_space<vmem>>) target(%dma_start3A_89 : memref<256x2048xbf16, #tpu.memory_space<any>>) target_semaphore(%dma_start3A_86 : memref<!tpu.dma_semaphore, #tpu.memory_space<semaphore_mem>>)
      %dma_wait3A = arith.constant 0 : i32
      %dma_wait3A_94 = arith.constant 0 : i32
      %dma_wait3A_95 = tpu.memref_slice %arg6[%dma_wait3A_94] : memref<2x!tpu.dma_semaphore, #tpu.memory_space<semaphore_mem>> -> memref<1x!tpu.dma_semaphore, #tpu.memory_space<semaphore_mem>>
      %dma_wait3A_96 = tpu.memref_squeeze %dma_wait3A_95 : memref<1x!tpu.dma_semaphore, #tpu.memory_space<semaphore_mem>> -> memref<!tpu.dma_semaphore, #tpu.memory_space<semaphore_mem>>
      %dma_wait3A_97 = arith.constant 0 : i32
      %dma_wait3A_98 = arith.constant 0 : i32
      %dma_wait3A_99 = tpu.memref_slice %arg3[%dma_wait3A_97, %dma_wait3A_98] : memref<2048x2048xbf16, #tpu.memory_space<any>> -> memref<256x2048xbf16, #tpu.memory_space<any>>
      %dma_wait3A_100 = arith.constant 0 : i32
      %dma_wait3A_101 = arith.constant 0 : i32
      %dma_wait3A_102 = tpu.memref_slice %arg5[%dma_wait3A, %dma_wait3A_100, %dma_wait3A_101] : memref<2x256x2048xbf16, #tpu.memory_space<vmem>> -> memref<1x256x2048xbf16, #tpu.memory_space<vmem>>
      %dma_wait3A_103 = tpu.memref_squeeze %dma_wait3A_102 : memref<1x256x2048xbf16, #tpu.memory_space<vmem>> -> memref<256x2048xbf16, #tpu.memory_space<vmem>>
      tpu.wait_dma2 semaphore(%dma_wait3A_96 : memref<!tpu.dma_semaphore, #tpu.memory_space<semaphore_mem>>) src(%dma_wait3A_103 : memref<256x2048xbf16, #tpu.memory_space<vmem>>) dst(%dma_wait3A_99 : memref<256x2048xbf16, #tpu.memory_space<any>>)
      %get3A_104 = arith.constant 0 : index
      %get3A_105 = arith.constant 512 : index
      %get3A_106 = vector.load %arg4[%get3A_104, %get3A_105] : memref<10000x2048xf8E4M3FN, #tpu.memory_space<vmem>>, vector<10000x256xf8E4M3FN>
      %get3A_107 = arith.constant 0 : index
      %get3A_108 = arith.constant 0 : index
      %get3A_109 = vector.load %arg4[%get3A_107, %get3A_108] : memref<10000x2048xf8E4M3FN, #tpu.memory_space<vmem>>, vector<10000x2048xf8E4M3FN>
      %dot_general3A_110 = arith.constant dense<0.000000e+00> : vector<256x2048xf32>
      %dot_general3A_111 = tpu.matmul %get3A_106, %get3A_109, %dot_general3A_110 {dimension_numbers = #tpu.dot_dimension_numbers<[0], [0], [1], [1], [0, 1, 1, 1], [], []>, transpose_lhs_hint = false} : vector<10000x256xf8E4M3FN>, vector<10000x2048xf8E4M3FN>, vector<256x2048xf32> -> vector<256x2048xf32>
      %reduce_max3A_112 = arith.constant dense<0xFF800000> : vector<256xf32>
      %reduce_max3A_113 = vector.multi_reduction <maximumf>, %dot_general3A_111, %reduce_max3A_112 [1] : vector<256x2048xf32> to vector<256xf32>
      %broadcast_in_dim3A_114 = vector.shape_cast %reduce_max3A_113 : vector<256xf32> to vector<256x1xf32>
      %sub3A_115 = vector.broadcast %broadcast_in_dim3A_114 : vector<256x1xf32> to vector<256x2048xf32>
      %sub3A_116 = arith.subf %dot_general3A_111, %sub3A_115 : vector<256x2048xf32>
      %mul3A_117 = vector.broadcast %div3A_11 : f32 to vector<256x2048xf32>
      %mul3A_118 = arith.mulf %sub3A_116, %mul3A_117 : vector<256x2048xf32>
      %exp3A_119 = math.exp %mul3A_118 : vector<256x2048xf32>
      %reduce_sum3A_120 = arith.constant dense<0.000000e+00> : vector<256xf32>
      %reduce_sum3A_121 = vector.multi_reduction <add>, %exp3A_119, %reduce_sum3A_120 [1] : vector<256x2048xf32> to vector<256xf32>
      %broadcast_in_dim3A_122 = vector.shape_cast %reduce_sum3A_121 : vector<256xf32> to vector<256x1xf32>
      %add3A_123 = arith.constant 1.000000e-10 : f32
      %add3A_124 = vector.broadcast %add3A_123 : f32 to vector<256x1xf32>
      %add3A_125 = arith.addf %broadcast_in_dim3A_122, %add3A_124 : vector<256x1xf32>
      %div3A_126 = arith.constant 1.000000e+00 : f32
      %div3A_127 = vector.broadcast %div3A_126 : f32 to vector<256x1xf32>
      %div3A_128 = arith.divf %div3A_127, %add3A_125 : vector<256x1xf32>
      %mul3A_129 = vector.broadcast %div3A_128 : vector<256x1xf32> to vector<256x2048xf32>
      %mul3A_130 = arith.mulf %exp3A_119, %mul3A_129 : vector<256x2048xf32>
      %convert_element_type3A_131 = arith.truncf %mul3A_130 : vector<256x2048xf32> to vector<256x2048xbf16>
      %swap3A_132 = arith.constant 0 : index
      %swap3A_133 = arith.constant 0 : index
      %swap3A_134 = arith.constant 0 : index
      %swap3A_135 = vector.load %arg5[%swap3A_132, %swap3A_133, %swap3A_134] : memref<2x256x2048xbf16, #tpu.memory_space<vmem>>, vector<1x256x2048xbf16>
      %swap3A_136 = vector.shape_cast %swap3A_135 : vector<1x256x2048xbf16> to vector<256x2048xbf16>
      %swap3A_137 = vector.shape_cast %convert_element_type3A_131 : vector<256x2048xbf16> to vector<1x256x2048xbf16>
      tpu.vector_store %arg5[%swap3A_132, %swap3A_133, %swap3A_134], %swap3A_137 {strides = array<i32>} : memref<2x256x2048xbf16, #tpu.memory_space<vmem>>, vector<1x256x2048xbf16>,
      %dma_start3A_138 = arith.constant 0 : i32
      %dma_start3A_139 = arith.constant 0 : i32
      %dma_start3A_140 = tpu.memref_slice %arg6[%dma_start3A_139] : memref<2x!tpu.dma_semaphore, #tpu.memory_space<semaphore_mem>> -> memref<1x!tpu.dma_semaphore, #tpu.memory_space<semaphore_mem>>
      %dma_start3A_141 = tpu.memref_squeeze %dma_start3A_140 : memref<1x!tpu.dma_semaphore, #tpu.memory_space<semaphore_mem>> -> memref<!tpu.dma_semaphore, #tpu.memory_space<semaphore_mem>>
      %dma_start3A_142 = arith.constant 512 : i32
      %dma_start3A_143 = arith.constant 0 : i32
      %dma_start3A_144 = tpu.memref_slice %arg3[%dma_start3A_142, %dma_start3A_143] : memref<2048x2048xbf16, #tpu.memory_space<any>> -> memref<256x2048xbf16, #tpu.memory_space<any>>
      %dma_start3A_145 = arith.constant 0 : i32
      %dma_start3A_146 = arith.constant 0 : i32
      %dma_start3A_147 = tpu.memref_slice %arg5[%dma_start3A_138, %dma_start3A_145, %dma_start3A_146] : memref<2x256x2048xbf16, #tpu.memory_space<vmem>> -> memref<1x256x2048xbf16, #tpu.memory_space<vmem>>
      %dma_start3A_148 = tpu.memref_squeeze %dma_start3A_147 : memref<1x256x2048xbf16, #tpu.memory_space<vmem>> -> memref<256x2048xbf16, #tpu.memory_space<vmem>>
      tpu.enqueue_dma source(%dma_start3A_148 : memref<256x2048xbf16, #tpu.memory_space<vmem>>) target(%dma_start3A_144 : memref<256x2048xbf16, #tpu.memory_space<any>>) target_semaphore(%dma_start3A_141 : memref<!tpu.dma_semaphore, #tpu.memory_space<semaphore_mem>>)
      %dma_wait3A_149 = arith.constant 1 : i32
      %dma_wait3A_150 = arith.constant 1 : i32
      %dma_wait3A_151 = tpu.memref_slice %arg6[%dma_wait3A_150] : memref<2x!tpu.dma_semaphore, #tpu.memory_space<semaphore_mem>> -> memref<1x!tpu.dma_semaphore, #tpu.memory_space<semaphore_mem>>
      %dma_wait3A_152 = tpu.memref_squeeze %dma_wait3A_151 : memref<1x!tpu.dma_semaphore, #tpu.memory_space<semaphore_mem>> -> memref<!tpu.dma_semaphore, #tpu.memory_space<semaphore_mem>>
      %dma_wait3A_153 = arith.constant 256 : i32
      %dma_wait3A_154 = arith.constant 0 : i32
      %dma_wait3A_155 = tpu.memref_slice %arg3[%dma_wait3A_153, %dma_wait3A_154] : memref<2048x2048xbf16, #tpu.memory_space<any>> -> memref<256x2048xbf16, #tpu.memory_space<any>>
      %dma_wait3A_156 = arith.constant 0 : i32
      %dma_wait3A_157 = arith.constant 0 : i32
      %dma_wait3A_158 = tpu.memref_slice %arg5[%dma_wait3A_149, %dma_wait3A_156, %dma_wait3A_157] : memref<2x256x2048xbf16, #tpu.memory_space<vmem>> -> memref<1x256x2048xbf16, #tpu.memory_space<vmem>>
      %dma_wait3A_159 = tpu.memref_squeeze %dma_wait3A_158 : memref<1x256x2048xbf16, #tpu.memory_space<vmem>> -> memref<256x2048xbf16, #tpu.memory_space<vmem>>
      tpu.wait_dma2 semaphore(%dma_wait3A_152 : memref<!tpu.dma_semaphore, #tpu.memory_space<semaphore_mem>>) src(%dma_wait3A_159 : memref<256x2048xbf16, #tpu.memory_space<vmem>>) dst(%dma_wait3A_155 : memref<256x2048xbf16, #tpu.memory_space<any>>)
      %get3A_160 = arith.constant 0 : index
      %get3A_161 = arith.constant 768 : index
      %get3A_162 = vector.load %arg4[%get3A_160, %get3A_161] : memref<10000x2048xf8E4M3FN, #tpu.memory_space<vmem>>, vector<10000x256xf8E4M3FN>
      %get3A_163 = arith.constant 0 : index
      %get3A_164 = arith.constant 0 : index
      %get3A_165 = vector.load %arg4[%get3A_163, %get3A_164] : memref<10000x2048xf8E4M3FN, #tpu.memory_space<vmem>>, vector<10000x2048xf8E4M3FN>
      %dot_general3A_166 = arith.constant dense<0.000000e+00> : vector<256x2048xf32>
      %dot_general3A_167 = tpu.matmul %get3A_162, %get3A_165, %dot_general3A_166 {dimension_numbers = #tpu.dot_dimension_numbers<[0], [0], [1], [1], [0, 1, 1, 1], [], []>, transpose_lhs_hint = false} : vector<10000x256xf8E4M3FN>, vector<10000x2048xf8E4M3FN>, vector<256x2048xf32> -> vector<256x2048xf32>
      %reduce_max3A_168 = arith.constant dense<0xFF800000> : vector<256xf32>
      %reduce_max3A_169 = vector.multi_reduction <maximumf>, %dot_general3A_167, %reduce_max3A_168 [1] : vector<256x2048xf32> to vector<256xf32>
      %broadcast_in_dim3A_170 = vector.shape_cast %reduce_max3A_169 : vector<256xf32> to vector<256x1xf32>
      %sub3A_171 = vector.broadcast %broadcast_in_dim3A_170 : vector<256x1xf32> to vector<256x2048xf32>
      %sub3A_172 = arith.subf %dot_general3A_167, %sub3A_171 : vector<256x2048xf32>
      %mul3A_173 = vector.broadcast %div3A_11 : f32 to vector<256x2048xf32>
      %mul3A_174 = arith.mulf %sub3A_172, %mul3A_173 : vector<256x2048xf32>
      %exp3A_175 = math.exp %mul3A_174 : vector<256x2048xf32>
      %reduce_sum3A_176 = arith.constant dense<0.000000e+00> : vector<256xf32>
      %reduce_sum3A_177 = vector.multi_reduction <add>, %exp3A_175, %reduce_sum3A_176 [1] : vector<256x2048xf32> to vector<256xf32>
      %broadcast_in_dim3A_178 = vector.shape_cast %reduce_sum3A_177 : vector<256xf32> to vector<256x1xf32>
      %add3A_179 = arith.constant 1.000000e-10 : f32
      %add3A_180 = vector.broadcast %add3A_179 : f32 to vector<256x1xf32>
      %add3A_181 = arith.addf %broadcast_in_dim3A_178, %add3A_180 : vector<256x1xf32>
      %div3A_182 = arith.constant 1.000000e+00 : f32
      %div3A_183 = vector.broadcast %div3A_182 : f32 to vector<256x1xf32>
      %div3A_184 = arith.divf %div3A_183, %add3A_181 : vector<256x1xf32>
      %mul3A_185 = vector.broadcast %div3A_184 : vector<256x1xf32> to vector<256x2048xf32>
      %mul3A_186 = arith.mulf %exp3A_175, %mul3A_185 : vector<256x2048xf32>
      %convert_element_type3A_187 = arith.truncf %mul3A_186 : vector<256x2048xf32> to vector<256x2048xbf16>
      %swap3A_188 = arith.constant 1 : index
      %swap3A_189 = arith.constant 0 : index
      %swap3A_190 = arith.constant 0 : index
      %swap3A_191 = vector.load %arg5[%swap3A_188, %swap3A_189, %swap3A_190] : memref<2x256x2048xbf16, #tpu.memory_space<vmem>>, vector<1x256x2048xbf16>
      %swap3A_192 = vector.shape_cast %swap3A_191 : vector<1x256x2048xbf16> to vector<256x2048xbf16>
      %swap3A_193 = vector.shape_cast %convert_element_type3A_187 : vector<256x2048xbf16> to vector<1x256x2048xbf16>
      tpu.vector_store %arg5[%swap3A_188, %swap3A_189, %swap3A_190], %swap3A_193 {strides = array<i32>} : memref<2x256x2048xbf16, #tpu.memory_space<vmem>>, vector<1x256x2048xbf16>,
      %dma_start3A_194 = arith.constant 1 : i32
      %dma_start3A_195 = arith.constant 1 : i32
      %dma_start3A_196 = tpu.memref_slice %arg6[%dma_start3A_195] : memref<2x!tpu.dma_semaphore, #tpu.memory_space<semaphore_mem>> -> memref<1x!tpu.dma_semaphore, #tpu.memory_space<semaphore_mem>>
      %dma_start3A_197 = tpu.memref_squeeze %dma_start3A_196 : memref<1x!tpu.dma_semaphore, #tpu.memory_space<semaphore_mem>> -> memref<!tpu.dma_semaphore, #tpu.memory_space<semaphore_mem>>
      %dma_start3A_198 = arith.constant 768 : i32
      %dma_start3A_199 = arith.constant 0 : i32
      %dma_start3A_200 = tpu.memref_slice %arg3[%dma_start3A_198, %dma_start3A_199] : memref<2048x2048xbf16, #tpu.memory_space<any>> -> memref<256x2048xbf16, #tpu.memory_space<any>>
      %dma_start3A_201 = arith.constant 0 : i32
      %dma_start3A_202 = arith.constant 0 : i32
      %dma_start3A_203 = tpu.memref_slice %arg5[%dma_start3A_194, %dma_start3A_201, %dma_start3A_202] : memref<2x256x2048xbf16, #tpu.memory_space<vmem>> -> memref<1x256x2048xbf16, #tpu.memory_space<vmem>>
      %dma_start3A_204 = tpu.memref_squeeze %dma_start3A_203 : memref<1x256x2048xbf16, #tpu.memory_space<vmem>> -> memref<256x2048xbf16, #tpu.memory_space<vmem>>
      tpu.enqueue_dma source(%dma_start3A_204 : memref<256x2048xbf16, #tpu.memory_space<vmem>>) target(%dma_start3A_200 : memref<256x2048xbf16, #tpu.memory_space<any>>) target_semaphore(%dma_start3A_197 : memref<!tpu.dma_semaphore, #tpu.memory_space<semaphore_mem>>)
      %dma_wait3A_205 = arith.constant 0 : i32
      %dma_wait3A_206 = arith.constant 0 : i32
      %dma_wait3A_207 = tpu.memref_slice %arg6[%dma_wait3A_206] : memref<2x!tpu.dma_semaphore, #tpu.memory_space<semaphore_mem>> -> memref<1x!tpu.dma_semaphore, #tpu.memory_space<semaphore_mem>>
      %dma_wait3A_208 = tpu.memref_squeeze %dma_wait3A_207 : memref<1x!tpu.dma_semaphore, #tpu.memory_space<semaphore_mem>> -> memref<!tpu.dma_semaphore, #tpu.memory_space<semaphore_mem>>
      %dma_wait3A_209 = arith.constant 512 : i32
      %dma_wait3A_210 = arith.constant 0 : i32
      %dma_wait3A_211 = tpu.memref_slice %arg3[%dma_wait3A_209, %dma_wait3A_210] : memref<2048x2048xbf16, #tpu.memory_space<any>> -> memref<256x2048xbf16, #tpu.memory_space<any>>
      %dma_wait3A_212 = arith.constant 0 : i32
      %dma_wait3A_213 = arith.constant 0 : i32
      %dma_wait3A_214 = tpu.memref_slice %arg5[%dma_wait3A_205, %dma_wait3A_212, %dma_wait3A_213] : memref<2x256x2048xbf16, #tpu.memory_space<vmem>> -> memref<1x256x2048xbf16, #tpu.memory_space<vmem>>
      %dma_wait3A_215 = tpu.memref_squeeze %dma_wait3A_214 : memref<1x256x2048xbf16, #tpu.memory_space<vmem>> -> memref<256x2048xbf16, #tpu.memory_space<vmem>>
      tpu.wait_dma2 semaphore(%dma_wait3A_208 : memref<!tpu.dma_semaphore, #tpu.memory_space<semaphore_mem>>) src(%dma_wait3A_215 : memref<256x2048xbf16, #tpu.memory_space<vmem>>) dst(%dma_wait3A_211 : memref<256x2048xbf16, #tpu.memory_space<any>>)
      %get3A_216 = arith.constant 0 : index
      %get3A_217 = arith.constant 1024 : index
      %get3A_218 = vector.load %arg4[%get3A_216, %get3A_217] : memref<10000x2048xf8E4M3FN, #tpu.memory_space<vmem>>, vector<10000x256xf8E4M3FN>
      %get3A_219 = arith.constant 0 : index
      %get3A_220 = arith.constant 0 : index
      %get3A_221 = vector.load %arg4[%get3A_219, %get3A_220] : memref<10000x2048xf8E4M3FN, #tpu.memory_space<vmem>>, vector<10000x2048xf8E4M3FN>
      %dot_general3A_222 = arith.constant dense<0.000000e+00> : vector<256x2048xf32>
      %dot_general3A_223 = tpu.matmul %get3A_218, %get3A_221, %dot_general3A_222 {dimension_numbers = #tpu.dot_dimension_numbers<[0], [0], [1], [1], [0, 1, 1, 1], [], []>, transpose_lhs_hint = false} : vector<10000x256xf8E4M3FN>, vector<10000x2048xf8E4M3FN>, vector<256x2048xf32> -> vector<256x2048xf32>
      %reduce_max3A_224 = arith.constant dense<0xFF800000> : vector<256xf32>
      %reduce_max3A_225 = vector.multi_reduction <maximumf>, %dot_general3A_223, %reduce_max3A_224 [1] : vector<256x2048xf32> to vector<256xf32>
      %broadcast_in_dim3A_226 = vector.shape_cast %reduce_max3A_225 : vector<256xf32> to vector<256x1xf32>
      %sub3A_227 = vector.broadcast %broadcast_in_dim3A_226 : vector<256x1xf32> to vector<256x2048xf32>
      %sub3A_228 = arith.subf %dot_general3A_223, %sub3A_227 : vector<256x2048xf32>
      %mul3A_229 = vector.broadcast %div3A_11 : f32 to vector<256x2048xf32>
      %mul3A_230 = arith.mulf %sub3A_228, %mul3A_229 : vector<256x2048xf32>
      %exp3A_231 = math.exp %mul3A_230 : vector<256x2048xf32>
      %reduce_sum3A_232 = arith.constant dense<0.000000e+00> : vector<256xf32>
      %reduce_sum3A_233 = vector.multi_reduction <add>, %exp3A_231, %reduce_sum3A_232 [1] : vector<256x2048xf32> to vector<256xf32>
      %broadcast_in_dim3A_234 = vector.shape_cast %reduce_sum3A_233 : vector<256xf32> to vector<256x1xf32>
      %add3A_235 = arith.constant 1.000000e-10 : f32
      %add3A_236 = vector.broadcast %add3A_235 : f32 to vector<256x1xf32>
      %add3A_237 = arith.addf %broadcast_in_dim3A_234, %add3A_236 : vector<256x1xf32>
      %div3A_238 = arith.constant 1.000000e+00 : f32
      %div3A_239 = vector.broadcast %div3A_238 : f32 to vector<256x1xf32>
      %div3A_240 = arith.divf %div3A_239, %add3A_237 : vector<256x1xf32>
      %mul3A_241 = vector.broadcast %div3A_240 : vector<256x1xf32> to vector<256x2048xf32>
      %mul3A_242 = arith.mulf %exp3A_231, %mul3A_241 : vector<256x2048xf32>
      %convert_element_type3A_243 = arith.truncf %mul3A_242 : vector<256x2048xf32> to vector<256x2048xbf16>
      %swap3A_244 = arith.constant 0 : index
      %swap3A_245 = arith.constant 0 : index
      %swap3A_246 = arith.constant 0 : index
      %swap3A_247 = vector.load %arg5[%swap3A_244, %swap3A_245, %swap3A_246] : memref<2x256x2048xbf16, #tpu.memory_space<vmem>>, vector<1x256x2048xbf16>
      %swap3A_248 = vector.shape_cast %swap3A_247 : vector<1x256x2048xbf16> to vector<256x2048xbf16>
      %swap3A_249 = vector.shape_cast %convert_element_type3A_243 : vector<256x2048xbf16> to vector<1x256x2048xbf16>
      tpu.vector_store %arg5[%swap3A_244, %swap3A_245, %swap3A_246], %swap3A_249 {strides = array<i32>} : memref<2x256x2048xbf16, #tpu.memory_space<vmem>>, vector<1x256x2048xbf16>,
      %dma_start3A_250 = arith.constant 0 : i32
      %dma_start3A_251 = arith.constant 0 : i32
      %dma_start3A_252 = tpu.memref_slice %arg6[%dma_start3A_251] : memref<2x!tpu.dma_semaphore, #tpu.memory_space<semaphore_mem>> -> memref<1x!tpu.dma_semaphore, #tpu.memory_space<semaphore_mem>>
      %dma_start3A_253 = tpu.memref_squeeze %dma_start3A_252 : memref<1x!tpu.dma_semaphore, #tpu.memory_space<semaphore_mem>> -> memref<!tpu.dma_semaphore, #tpu.memory_space<semaphore_mem>>
      %dma_start3A_254 = arith.constant 1024 : i32
      %dma_start3A_255 = arith.constant 0 : i32
      %dma_start3A_256 = tpu.memref_slice %arg3[%dma_start3A_254, %dma_start3A_255] : memref<2048x2048xbf16, #tpu.memory_space<any>> -> memref<256x2048xbf16, #tpu.memory_space<any>>
      %dma_start3A_257 = arith.constant 0 : i32
      %dma_start3A_258 = arith.constant 0 : i32
      %dma_start3A_259 = tpu.memref_slice %arg5[%dma_start3A_250, %dma_start3A_257, %dma_start3A_258] : memref<2x256x2048xbf16, #tpu.memory_space<vmem>> -> memref<1x256x2048xbf16, #tpu.memory_space<vmem>>
      %dma_start3A_260 = tpu.memref_squeeze %dma_start3A_259 : memref<1x256x2048xbf16, #tpu.memory_space<vmem>> -> memref<256x2048xbf16, #tpu.memory_space<vmem>>
      tpu.enqueue_dma source(%dma_start3A_260 : memref<256x2048xbf16, #tpu.memory_space<vmem>>) target(%dma_start3A_256 : memref<256x2048xbf16, #tpu.memory_space<any>>) target_semaphore(%dma_start3A_253 : memref<!tpu.dma_semaphore, #tpu.memory_space<semaphore_mem>>)
      %dma_wait3A_261 = arith.constant 1 : i32
      %dma_wait3A_262 = arith.constant 1 : i32
      %dma_wait3A_263 = tpu.memref_slice %arg6[%dma_wait3A_262] : memref<2x!tpu.dma_semaphore, #tpu.memory_space<semaphore_mem>> -> memref<1x!tpu.dma_semaphore, #tpu.memory_space<semaphore_mem>>
      %dma_wait3A_264 = tpu.memref_squeeze %dma_wait3A_263 : memref<1x!tpu.dma_semaphore, #tpu.memory_space<semaphore_mem>> -> memref<!tpu.dma_semaphore, #tpu.memory_space<semaphore_mem>>
      %dma_wait3A_265 = arith.constant 768 : i32
      %dma_wait3A_266 = arith.constant 0 : i32
      %dma_wait3A_267 = tpu.memref_slice %arg3[%dma_wait3A_265, %dma_wait3A_266] : memref<2048x2048xbf16, #tpu.memory_space<any>> -> memref<256x2048xbf16, #tpu.memory_space<any>>
      %dma_wait3A_268 = arith.constant 0 : i32
      %dma_wait3A_269 = arith.constant 0 : i32
      %dma_wait3A_270 = tpu.memref_slice %arg5[%dma_wait3A_261, %dma_wait3A_268, %dma_wait3A_269] : memref<2x256x2048xbf16, #tpu.memory_space<vmem>> -> memref<1x256x2048xbf16, #tpu.memory_space<vmem>>
      %dma_wait3A_271 = tpu.memref_squeeze %dma_wait3A_270 : memref<1x256x2048xbf16, #tpu.memory_space<vmem>> -> memref<256x2048xbf16, #tpu.memory_space<vmem>>
      tpu.wait_dma2 semaphore(%dma_wait3A_264 : memref<!tpu.dma_semaphore, #tpu.memory_space<semaphore_mem>>) src(%dma_wait3A_271 : memref<256x2048xbf16, #tpu.memory_space<vmem>>) dst(%dma_wait3A_267 : memref<256x2048xbf16, #tpu.memory_space<any>>)
      %get3A_272 = arith.constant 0 : index
      %get3A_273 = arith.constant 1280 : index
      %get3A_274 = vector.load %arg4[%get3A_272, %get3A_273] : memref<10000x2048xf8E4M3FN, #tpu.memory_space<vmem>>, vector<10000x256xf8E4M3FN>
      %get3A_275 = arith.constant 0 : index
      %get3A_276 = arith.constant 0 : index
      %get3A_277 = vector.load %arg4[%get3A_275, %get3A_276] : memref<10000x2048xf8E4M3FN, #tpu.memory_space<vmem>>, vector<10000x2048xf8E4M3FN>
      %dot_general3A_278 = arith.constant dense<0.000000e+00> : vector<256x2048xf32>
      %dot_general3A_279 = tpu.matmul %get3A_274, %get3A_277, %dot_general3A_278 {dimension_numbers = #tpu.dot_dimension_numbers<[0], [0], [1], [1], [0, 1, 1, 1], [], []>, transpose_lhs_hint = false} : vector<10000x256xf8E4M3FN>, vector<10000x2048xf8E4M3FN>, vector<256x2048xf32> -> vector<256x2048xf32>
      %reduce_max3A_280 = arith.constant dense<0xFF800000> : vector<256xf32>
      %reduce_max3A_281 = vector.multi_reduction <maximumf>, %dot_general3A_279, %reduce_max3A_280 [1] : vector<256x2048xf32> to vector<256xf32>
      %broadcast_in_dim3A_282 = vector.shape_cast %reduce_max3A_281 : vector<256xf32> to vector<256x1xf32>
      %sub3A_283 = vector.broadcast %broadcast_in_dim3A_282 : vector<256x1xf32> to vector<256x2048xf32>
      %sub3A_284 = arith.subf %dot_general3A_279, %sub3A_283 : vector<256x2048xf32>
      %mul3A_285 = vector.broadcast %div3A_11 : f32 to vector<256x2048xf32>
      %mul3A_286 = arith.mulf %sub3A_284, %mul3A_285 : vector<256x2048xf32>
      %exp3A_287 = math.exp %mul3A_286 : vector<256x2048xf32>
      %reduce_sum3A_288 = arith.constant dense<0.000000e+00> : vector<256xf32>
      %reduce_sum3A_289 = vector.multi_reduction <add>, %exp3A_287, %reduce_sum3A_288 [1] : vector<256x2048xf32> to vector<256xf32>
      %broadcast_in_dim3A_290 = vector.shape_cast %reduce_sum3A_289 : vector<256xf32> to vector<256x1xf32>
      %add3A_291 = arith.constant 1.000000e-10 : f32
      %add3A_292 = vector.broadcast %add3A_291 : f32 to vector<256x1xf32>
      %add3A_293 = arith.addf %broadcast_in_dim3A_290, %add3A_292 : vector<256x1xf32>
      %div3A_294 = arith.constant 1.000000e+00 : f32
      %div3A_295 = vector.broadcast %div3A_294 : f32 to vector<256x1xf32>
      %div3A_296 = arith.divf %div3A_295, %add3A_293 : vector<256x1xf32>
      %mul3A_297 = vector.broadcast %div3A_296 : vector<256x1xf32> to vector<256x2048xf32>
      %mul3A_298 = arith.mulf %exp3A_287, %mul3A_297 : vector<256x2048xf32>
      %convert_element_type3A_299 = arith.truncf %mul3A_298 : vector<256x2048xf32> to vector<256x2048xbf16>
      %swap3A_300 = arith.constant 1 : index
      %swap3A_301 = arith.constant 0 : index
      %swap3A_302 = arith.constant 0 : index
      %swap3A_303 = vector.load %arg5[%swap3A_300, %swap3A_301, %swap3A_302] : memref<2x256x2048xbf16, #tpu.memory_space<vmem>>, vector<1x256x2048xbf16>
      %swap3A_304 = vector.shape_cast %swap3A_303 : vector<1x256x2048xbf16> to vector<256x2048xbf16>
      %swap3A_305 = vector.shape_cast %convert_element_type3A_299 : vector<256x2048xbf16> to vector<1x256x2048xbf16>
      tpu.vector_store %arg5[%swap3A_300, %swap3A_301, %swap3A_302], %swap3A_305 {strides = array<i32>} : memref<2x256x2048xbf16, #tpu.memory_space<vmem>>, vector<1x256x2048xbf16>,
      %dma_start3A_306 = arith.constant 1 : i32
      %dma_start3A_307 = arith.constant 1 : i32
      %dma_start3A_308 = tpu.memref_slice %arg6[%dma_start3A_307] : memref<2x!tpu.dma_semaphore, #tpu.memory_space<semaphore_mem>> -> memref<1x!tpu.dma_semaphore, #tpu.memory_space<semaphore_mem>>
      %dma_start3A_309 = tpu.memref_squeeze %dma_start3A_308 : memref<1x!tpu.dma_semaphore, #tpu.memory_space<semaphore_mem>> -> memref<!tpu.dma_semaphore, #tpu.memory_space<semaphore_mem>>
      %dma_start3A_310 = arith.constant 1280 : i32
      %dma_start3A_311 = arith.constant 0 : i32
      %dma_start3A_312 = tpu.memref_slice %arg3[%dma_start3A_310, %dma_start3A_311] : memref<2048x2048xbf16, #tpu.memory_space<any>> -> memref<256x2048xbf16, #tpu.memory_space<any>>
      %dma_start3A_313 = arith.constant 0 : i32
      %dma_start3A_314 = arith.constant 0 : i32
      %dma_start3A_315 = tpu.memref_slice %arg5[%dma_start3A_306, %dma_start3A_313, %dma_start3A_314] : memref<2x256x2048xbf16, #tpu.memory_space<vmem>> -> memref<1x256x2048xbf16, #tpu.memory_space<vmem>>
      %dma_start3A_316 = tpu.memref_squeeze %dma_start3A_315 : memref<1x256x2048xbf16, #tpu.memory_space<vmem>> -> memref<256x2048xbf16, #tpu.memory_space<vmem>>
      tpu.enqueue_dma source(%dma_start3A_316 : memref<256x2048xbf16, #tpu.memory_space<vmem>>) target(%dma_start3A_312 : memref<256x2048xbf16, #tpu.memory_space<any>>) target_semaphore(%dma_start3A_309 : memref<!tpu.dma_semaphore, #tpu.memory_space<semaphore_mem>>)
      %dma_wait3A_317 = arith.constant 0 : i32
      %dma_wait3A_318 = arith.constant 0 : i32
      %dma_wait3A_319 = tpu.memref_slice %arg6[%dma_wait3A_318] : memref<2x!tpu.dma_semaphore, #tpu.memory_space<semaphore_mem>> -> memref<1x!tpu.dma_semaphore, #tpu.memory_space<semaphore_mem>>
      %dma_wait3A_320 = tpu.memref_squeeze %dma_wait3A_319 : memref<1x!tpu.dma_semaphore, #tpu.memory_space<semaphore_mem>> -> memref<!tpu.dma_semaphore, #tpu.memory_space<semaphore_mem>>
      %dma_wait3A_321 = arith.constant 1024 : i32
      %dma_wait3A_322 = arith.constant 0 : i32
      %dma_wait3A_323 = tpu.memref_slice %arg3[%dma_wait3A_321, %dma_wait3A_322] : memref<2048x2048xbf16, #tpu.memory_space<any>> -> memref<256x2048xbf16, #tpu.memory_space<any>>
      %dma_wait3A_324 = arith.constant 0 : i32
      %dma_wait3A_325 = arith.constant 0 : i32
      %dma_wait3A_326 = tpu.memref_slice %arg5[%dma_wait3A_317, %dma_wait3A_324, %dma_wait3A_325] : memref<2x256x2048xbf16, #tpu.memory_space<vmem>> -> memref<1x256x2048xbf16, #tpu.memory_space<vmem>>
      %dma_wait3A_327 = tpu.memref_squeeze %dma_wait3A_326 : memref<1x256x2048xbf16, #tpu.memory_space<vmem>> -> memref<256x2048xbf16, #tpu.memory_space<vmem>>
      tpu.wait_dma2 semaphore(%dma_wait3A_320 : memref<!tpu.dma_semaphore, #tpu.memory_space<semaphore_mem>>) src(%dma_wait3A_327 : memref<256x2048xbf16, #tpu.memory_space<vmem>>) dst(%dma_wait3A_323 : memref<256x2048xbf16, #tpu.memory_space<any>>)
      %get3A_328 = arith.constant 0 : index
      %get3A_329 = arith.constant 1536 : index
      %get3A_330 = vector.load %arg4[%get3A_328, %get3A_329] : memref<10000x2048xf8E4M3FN, #tpu.memory_space<vmem>>, vector<10000x256xf8E4M3FN>
      %get3A_331 = arith.constant 0 : index
      %get3A_332 = arith.constant 0 : index
      %get3A_333 = vector.load %arg4[%get3A_331, %get3A_332] : memref<10000x2048xf8E4M3FN, #tpu.memory_space<vmem>>, vector<10000x2048xf8E4M3FN>
      %dot_general3A_334 = arith.constant dense<0.000000e+00> : vector<256x2048xf32>
      %dot_general3A_335 = tpu.matmul %get3A_330, %get3A_333, %dot_general3A_334 {dimension_numbers = #tpu.dot_dimension_numbers<[0], [0], [1], [1], [0, 1, 1, 1], [], []>, transpose_lhs_hint = false} : vector<10000x256xf8E4M3FN>, vector<10000x2048xf8E4M3FN>, vector<256x2048xf32> -> vector<256x2048xf32>
      %reduce_max3A_336 = arith.constant dense<0xFF800000> : vector<256xf32>
      %reduce_max3A_337 = vector.multi_reduction <maximumf>, %dot_general3A_335, %reduce_max3A_336 [1] : vector<256x2048xf32> to vector<256xf32>
      %broadcast_in_dim3A_338 = vector.shape_cast %reduce_max3A_337 : vector<256xf32> to vector<256x1xf32>
      %sub3A_339 = vector.broadcast %broadcast_in_dim3A_338 : vector<256x1xf32> to vector<256x2048xf32>
      %sub3A_340 = arith.subf %dot_general3A_335, %sub3A_339 : vector<256x2048xf32>
      %mul3A_341 = vector.broadcast %div3A_11 : f32 to vector<256x2048xf32>
      %mul3A_342 = arith.mulf %sub3A_340, %mul3A_341 : vector<256x2048xf32>
      %exp3A_343 = math.exp %mul3A_342 : vector<256x2048xf32>
      %reduce_sum3A_344 = arith.constant dense<0.000000e+00> : vector<256xf32>
      %reduce_sum3A_345 = vector.multi_reduction <add>, %exp3A_343, %reduce_sum3A_344 [1] : vector<256x2048xf32> to vector<256xf32>
      %broadcast_in_dim3A_346 = vector.shape_cast %reduce_sum3A_345 : vector<256xf32> to vector<256x1xf32>
      %add3A_347 = arith.constant 1.000000e-10 : f32
      %add3A_348 = vector.broadcast %add3A_347 : f32 to vector<256x1xf32>
      %add3A_349 = arith.addf %broadcast_in_dim3A_346, %add3A_348 : vector<256x1xf32>
      %div3A_350 = arith.constant 1.000000e+00 : f32
      %div3A_351 = vector.broadcast %div3A_350 : f32 to vector<256x1xf32>
      %div3A_352 = arith.divf %div3A_351, %add3A_349 : vector<256x1xf32>
      %mul3A_353 = vector.broadcast %div3A_352 : vector<256x1xf32> to vector<256x2048xf32>
      %mul3A_354 = arith.mulf %exp3A_343, %mul3A_353 : vector<256x2048xf32>
      %convert_element_type3A_355 = arith.truncf %mul3A_354 : vector<256x2048xf32> to vector<256x2048xbf16>
      %swap3A_356 = arith.constant 0 : index
      %swap3A_357 = arith.constant 0 : index
      %swap3A_358 = arith.constant 0 : index
      %swap3A_359 = vector.load %arg5[%swap3A_356, %swap3A_357, %swap3A_358] : memref<2x256x2048xbf16, #tpu.memory_space<vmem>>, vector<1x256x2048xbf16>
      %swap3A_360 = vector.shape_cast %swap3A_359 : vector<1x256x2048xbf16> to vector<256x2048xbf16>
      %swap3A_361 = vector.shape_cast %convert_element_type3A_355 : vector<256x2048xbf16> to vector<1x256x2048xbf16>
      tpu.vector_store %arg5[%swap3A_356, %swap3A_357, %swap3A_358], %swap3A_361 {strides = array<i32>} : memref<2x256x2048xbf16, #tpu.memory_space<vmem>>, vector<1x256x2048xbf16>,
      %dma_start3A_362 = arith.constant 0 : i32
      %dma_start3A_363 = arith.constant 0 : i32
      %dma_start3A_364 = tpu.memref_slice %arg6[%dma_start3A_363] : memref<2x!tpu.dma_semaphore, #tpu.memory_space<semaphore_mem>> -> memref<1x!tpu.dma_semaphore, #tpu.memory_space<semaphore_mem>>
      %dma_start3A_365 = tpu.memref_squeeze %dma_start3A_364 : memref<1x!tpu.dma_semaphore, #tpu.memory_space<semaphore_mem>> -> memref<!tpu.dma_semaphore, #tpu.memory_space<semaphore_mem>>
      %dma_start3A_366 = arith.constant 1536 : i32
      %dma_start3A_367 = arith.constant 0 : i32
      %dma_start3A_368 = tpu.memref_slice %arg3[%dma_start3A_366, %dma_start3A_367] : memref<2048x2048xbf16, #tpu.memory_space<any>> -> memref<256x2048xbf16, #tpu.memory_space<any>>
      %dma_start3A_369 = arith.constant 0 : i32
      %dma_start3A_370 = arith.constant 0 : i32
      %dma_start3A_371 = tpu.memref_slice %arg5[%dma_start3A_362, %dma_start3A_369, %dma_start3A_370] : memref<2x256x2048xbf16, #tpu.memory_space<vmem>> -> memref<1x256x2048xbf16, #tpu.memory_space<vmem>>
      %dma_start3A_372 = tpu.memref_squeeze %dma_start3A_371 : memref<1x256x2048xbf16, #tpu.memory_space<vmem>> -> memref<256x2048xbf16, #tpu.memory_space<vmem>>
      tpu.enqueue_dma source(%dma_start3A_372 : memref<256x2048xbf16, #tpu.memory_space<vmem>>) target(%dma_start3A_368 : memref<256x2048xbf16, #tpu.memory_space<any>>) target_semaphore(%dma_start3A_365 : memref<!tpu.dma_semaphore, #tpu.memory_space<semaphore_mem>>)
      %dma_wait3A_373 = arith.constant 1 : i32
      %dma_wait3A_374 = arith.constant 1 : i32
      %dma_wait3A_375 = tpu.memref_slice %arg6[%dma_wait3A_374] : memref<2x!tpu.dma_semaphore, #tpu.memory_space<semaphore_mem>> -> memref<1x!tpu.dma_semaphore, #tpu.memory_space<semaphore_mem>>
      %dma_wait3A_376 = tpu.memref_squeeze %dma_wait3A_375 : memref<1x!tpu.dma_semaphore, #tpu.memory_space<semaphore_mem>> -> memref<!tpu.dma_semaphore, #tpu.memory_space<semaphore_mem>>
      %dma_wait3A_377 = arith.constant 1280 : i32
      %dma_wait3A_378 = arith.constant 0 : i32
      %dma_wait3A_379 = tpu.memref_slice %arg3[%dma_wait3A_377, %dma_wait3A_378] : memref<2048x2048xbf16, #tpu.memory_space<any>> -> memref<256x2048xbf16, #tpu.memory_space<any>>
      %dma_wait3A_380 = arith.constant 0 : i32
      %dma_wait3A_381 = arith.constant 0 : i32
      %dma_wait3A_382 = tpu.memref_slice %arg5[%dma_wait3A_373, %dma_wait3A_380, %dma_wait3A_381] : memref<2x256x2048xbf16, #tpu.memory_space<vmem>> -> memref<1x256x2048xbf16, #tpu.memory_space<vmem>>
      %dma_wait3A_383 = tpu.memref_squeeze %dma_wait3A_382 : memref<1x256x2048xbf16, #tpu.memory_space<vmem>> -> memref<256x2048xbf16, #tpu.memory_space<vmem>>
      tpu.wait_dma2 semaphore(%dma_wait3A_376 : memref<!tpu.dma_semaphore, #tpu.memory_space<semaphore_mem>>) src(%dma_wait3A_383 : memref<256x2048xbf16, #tpu.memory_space<vmem>>) dst(%dma_wait3A_379 : memref<256x2048xbf16, #tpu.memory_space<any>>)
      %get3A_384 = arith.constant 0 : index
      %get3A_385 = arith.constant 1792 : index
      %get3A_386 = vector.load %arg4[%get3A_384, %get3A_385] : memref<10000x2048xf8E4M3FN, #tpu.memory_space<vmem>>, vector<10000x256xf8E4M3FN>
      %get3A_387 = arith.constant 0 : index
      %get3A_388 = arith.constant 0 : index
      %get3A_389 = vector.load %arg4[%get3A_387, %get3A_388] : memref<10000x2048xf8E4M3FN, #tpu.memory_space<vmem>>, vector<10000x2048xf8E4M3FN>
      %dot_general3A_390 = arith.constant dense<0.000000e+00> : vector<256x2048xf32>
      %dot_general3A_391 = tpu.matmul %get3A_386, %get3A_389, %dot_general3A_390 {dimension_numbers = #tpu.dot_dimension_numbers<[0], [0], [1], [1], [0, 1, 1, 1], [], []>, transpose_lhs_hint = false} : vector<10000x256xf8E4M3FN>, vector<10000x2048xf8E4M3FN>, vector<256x2048xf32> -> vector<256x2048xf32>
      %reduce_max3A_392 = arith.constant dense<0xFF800000> : vector<256xf32>
      %reduce_max3A_393 = vector.multi_reduction <maximumf>, %dot_general3A_391, %reduce_max3A_392 [1] : vector<256x2048xf32> to vector<256xf32>
      %broadcast_in_dim3A_394 = vector.shape_cast %reduce_max3A_393 : vector<256xf32> to vector<256x1xf32>
      %sub3A_395 = vector.broadcast %broadcast_in_dim3A_394 : vector<256x1xf32> to vector<256x2048xf32>
      %sub3A_396 = arith.subf %dot_general3A_391, %sub3A_395 : vector<256x2048xf32>
      %mul3A_397 = vector.broadcast %div3A_11 : f32 to vector<256x2048xf32>
      %mul3A_398 = arith.mulf %sub3A_396, %mul3A_397 : vector<256x2048xf32>
      %exp3A_399 = math.exp %mul3A_398 : vector<256x2048xf32>
      %reduce_sum3A_400 = arith.constant dense<0.000000e+00> : vector<256xf32>
      %reduce_sum3A_401 = vector.multi_reduction <add>, %exp3A_399, %reduce_sum3A_400 [1] : vector<256x2048xf32> to vector<256xf32>
      %broadcast_in_dim3A_402 = vector.shape_cast %reduce_sum3A_401 : vector<256xf32> to vector<256x1xf32>
      %add3A_403 = arith.constant 1.000000e-10 : f32
      %add3A_404 = vector.broadcast %add3A_403 : f32 to vector<256x1xf32>
      %add3A_405 = arith.addf %broadcast_in_dim3A_402, %add3A_404 : vector<256x1xf32>
      %div3A_406 = arith.constant 1.000000e+00 : f32
      %div3A_407 = vector.broadcast %div3A_406 : f32 to vector<256x1xf32>
      %div3A_408 = arith.divf %div3A_407, %add3A_405 : vector<256x1xf32>
      %mul3A_409 = vector.broadcast %div3A_408 : vector<256x1xf32> to vector<256x2048xf32>
      %mul3A_410 = arith.mulf %exp3A_399, %mul3A_409 : vector<256x2048xf32>
      %convert_element_type3A_411 = arith.truncf %mul3A_410 : vector<256x2048xf32> to vector<256x2048xbf16>
      %swap3A_412 = arith.constant 1 : index
      %swap3A_413 = arith.constant 0 : index
      %swap3A_414 = arith.constant 0 : index
      %swap3A_415 = vector.load %arg5[%swap3A_412, %swap3A_413, %swap3A_414] : memref<2x256x2048xbf16, #tpu.memory_space<vmem>>, vector<1x256x2048xbf16>
      %swap3A_416 = vector.shape_cast %swap3A_415 : vector<1x256x2048xbf16> to vector<256x2048xbf16>
      %swap3A_417 = vector.shape_cast %convert_element_type3A_411 : vector<256x2048xbf16> to vector<1x256x2048xbf16>
      tpu.vector_store %arg5[%swap3A_412, %swap3A_413, %swap3A_414], %swap3A_417 {strides = array<i32>} : memref<2x256x2048xbf16, #tpu.memory_space<vmem>>, vector<1x256x2048xbf16>,
      %dma_start3A_418 = arith.constant 1 : i32
      %dma_start3A_419 = arith.constant 1 : i32
      %dma_start3A_420 = tpu.memref_slice %arg6[%dma_start3A_419] : memref<2x!tpu.dma_semaphore, #tpu.memory_space<semaphore_mem>> -> memref<1x!tpu.dma_semaphore, #tpu.memory_space<semaphore_mem>>
      %dma_start3A_421 = tpu.memref_squeeze %dma_start3A_420 : memref<1x!tpu.dma_semaphore, #tpu.memory_space<semaphore_mem>> -> memref<!tpu.dma_semaphore, #tpu.memory_space<semaphore_mem>>
      %dma_start3A_422 = arith.constant 1792 : i32
      %dma_start3A_423 = arith.constant 0 : i32
      %dma_start3A_424 = tpu.memref_slice %arg3[%dma_start3A_422, %dma_start3A_423] : memref<2048x2048xbf16, #tpu.memory_space<any>> -> memref<256x2048xbf16, #tpu.memory_space<any>>
      %dma_start3A_425 = arith.constant 0 : i32
      %dma_start3A_426 = arith.constant 0 : i32
      %dma_start3A_427 = tpu.memref_slice %arg5[%dma_start3A_418, %dma_start3A_425, %dma_start3A_426] : memref<2x256x2048xbf16, #tpu.memory_space<vmem>> -> memref<1x256x2048xbf16, #tpu.memory_space<vmem>>
      %dma_start3A_428 = tpu.memref_squeeze %dma_start3A_427 : memref<1x256x2048xbf16, #tpu.memory_space<vmem>> -> memref<256x2048xbf16, #tpu.memory_space<vmem>>
      tpu.enqueue_dma source(%dma_start3A_428 : memref<256x2048xbf16, #tpu.memory_space<vmem>>) target(%dma_start3A_424 : memref<256x2048xbf16, #tpu.memory_space<any>>) target_semaphore(%dma_start3A_421 : memref<!tpu.dma_semaphore, #tpu.memory_space<semaphore_mem>>)
      %dma_wait3A_429 = arith.constant 0 : i32
      %dma_wait3A_430 = arith.constant 0 : i32
      %dma_wait3A_431 = tpu.memref_slice %arg6[%dma_wait3A_430] : memref<2x!tpu.dma_semaphore, #tpu.memory_space<semaphore_mem>> -> memref<1x!tpu.dma_semaphore, #tpu.memory_space<semaphore_mem>>
      %dma_wait3A_432 = tpu.memref_squeeze %dma_wait3A_431 : memref<1x!tpu.dma_semaphore, #tpu.memory_space<semaphore_mem>> -> memref<!tpu.dma_semaphore, #tpu.memory_space<semaphore_mem>>
      %dma_wait3A_433 = arith.constant 1536 : i32
      %dma_wait3A_434 = arith.constant 0 : i32
      %dma_wait3A_435 = tpu.memref_slice %arg3[%dma_wait3A_433, %dma_wait3A_434] : memref<2048x2048xbf16, #tpu.memory_space<any>> -> memref<256x2048xbf16, #tpu.memory_space<any>>
      %dma_wait3A_436 = arith.constant 0 : i32
      %dma_wait3A_437 = arith.constant 0 : i32
      %dma_wait3A_438 = tpu.memref_slice %arg5[%dma_wait3A_429, %dma_wait3A_436, %dma_wait3A_437] : memref<2x256x2048xbf16, #tpu.memory_space<vmem>> -> memref<1x256x2048xbf16, #tpu.memory_space<vmem>>
      %dma_wait3A_439 = tpu.memref_squeeze %dma_wait3A_438 : memref<1x256x2048xbf16, #tpu.memory_space<vmem>> -> memref<256x2048xbf16, #tpu.memory_space<vmem>>
      tpu.wait_dma2 semaphore(%dma_wait3A_432 : memref<!tpu.dma_semaphore, #tpu.memory_space<semaphore_mem>>) src(%dma_wait3A_439 : memref<256x2048xbf16, #tpu.memory_space<vmem>>) dst(%dma_wait3A_435 : memref<256x2048xbf16, #tpu.memory_space<any>>)
      %dma_wait3A_440 = arith.constant 1 : i32
      %dma_wait3A_441 = arith.constant 1 : i32
      %dma_wait3A_442 = tpu.memref_slice %arg6[%dma_wait3A_441] : memref<2x!tpu.dma_semaphore, #tpu.memory_space<semaphore_mem>> -> memref<1x!tpu.dma_semaphore, #tpu.memory_space<semaphore_mem>>
      %dma_wait3A_443 = tpu.memref_squeeze %dma_wait3A_442 : memref<1x!tpu.dma_semaphore, #tpu.memory_space<semaphore_mem>> -> memref<!tpu.dma_semaphore, #tpu.memory_space<semaphore_mem>>
      %dma_wait3A_444 = arith.constant 1792 : i32
      %dma_wait3A_445 = arith.constant 0 : i32
      %dma_wait3A_446 = tpu.memref_slice %arg3[%dma_wait3A_444, %dma_wait3A_445] : memref<2048x2048xbf16, #tpu.memory_space<any>> -> memref<256x2048xbf16, #tpu.memory_space<any>>
      %dma_wait3A_447 = arith.constant 0 : i32
      %dma_wait3A_448 = arith.constant 0 : i32
      %dma_wait3A_449 = tpu.memref_slice %arg5[%dma_wait3A_440, %dma_wait3A_447, %dma_wait3A_448] : memref<2x256x2048xbf16, #tpu.memory_space<vmem>> -> memref<1x256x2048xbf16, #tpu.memory_space<vmem>>
      %dma_wait3A_450 = tpu.memref_squeeze %dma_wait3A_449 : memref<1x256x2048xbf16, #tpu.memory_space<vmem>> -> memref<256x2048xbf16, #tpu.memory_space<vmem>>
      tpu.wait_dma2 semaphore(%dma_wait3A_443 : memref<!tpu.dma_semaphore, #tpu.memory_space<semaphore_mem>>) src(%dma_wait3A_450 : memref<256x2048xbf16, #tpu.memory_space<vmem>>) dst(%dma_wait3A_446 : memref<256x2048xbf16, #tpu.memory_space<any>>)
    } else {
    }
    return
  }
  func.func @transform_0(%arg0: i32) -> (i32, i32) {
    %c0_i32 = arith.constant 0 : i32
    %c0_i32_0 = arith.constant 0 : i32
    return %arg0, %c0_i32 : i32, i32
  }
  func.func @transform_1(%arg0: i32) -> (i32, i32) {
    %c0_i32 = arith.constant 0 : i32
    %c0_i32_0 = arith.constant 0 : i32
    %c0_i32_1 = arith.constant 0 : i32
    return %c0_i32, %c0_i32_0 : i32, i32
  }
}

</mosaic_0001>

<sc_bundles>
// kernel: kernel.5.cloned.1.call-start
scs
__scs_entry_jumppad:
0x0: {  	(pc) =	sbr.rel $0x88, $3  }
0x1: {  	(tag) =	ssettag $0x0;
	lr =	simm.s32 $0x1  }
0x2: {  	[smem:$0x3F9E] =	sst lr;
	_ =	strace $0xD0000000  }
0x3: {  	_ = 	snop  }
0x4: {  	_ = 	snop  }
0x5: {  	_ = 	snop  }
0x6: {  	_ = 	snop  }
0x7: {  	_ = 	snop  }
__scs_overlays_trampoline_lowered:
0x8: {  	[smem:$0x3FAD] =	sst s0  }
0x9: {  	[smem:$0x3FAE] =	sst s1  }
0xa: {  	[smem:$0x3FAF] =	sst s2  }
0xb: {  	[smem:$0x3FB0] =	sst s3  }
0xc: {  	[smem:$0x3FB1] =	sst s4  }
0xd: {  	[smem:$0x3FB2] =	sst s5  }
0xe: {  	[smem:$0x3FB3] =	sst s6  }
0xf: {  	[smem:$0x3FB4] =	sst s7  }
0x10: {  	[smem:$0x3FB5] =	sst s8  }
0x11: {  	[smem:$0x3FB6] =	sst s9;
	s0 =	simm.s32 @!p0 $0x0  }
0x12: {  	s1 =	sld [smem:$0x3F9C];
	s0 =	simm.s32 @p0 $0x1  }
0x13: {  	[smem:$0x3FB7] =	sst s0;
	s0 =	simm.s32 @!p1 $0x0  }
0x14: {  	s2 =	sld [smem:$0x3F9B];
	s0 =	simm.s32 @p1 $0x1  }
0x15: {  	[smem:$0x3FB8] =	sst s0;
	s0 =	simm.s32 @!p2 $0x0  }
0x16: {  	s3 =	sld [smem:$0x3FDB];
	s0 =	simm.s32 @p2 $0x1  }
0x17: {  	s4 =	simm.s32 $0x1BF5;
	[smem:$0x3FBA] =	sst s0  }
0x18: {  	s0 =	sld [smem:$0x3F9D];
	_ =	swait.ge [sflag:s4], $0x0  }
0x19: {  	s7 =	sld [smem:$0x3F9E]  }
0x1a: {  	s8 =	sadd.s32 $0xFFFFE003, lr  }
0x1b: {  	s9 =	sadd.s32 $0xFFFFFEF7, lr;
	s5 =	simm.s32 $0xFFFFFFFF;
	p2 =	slt.u32 s8, $0xFFFFF086  }
0x1c: {  	p1 =	slt.u32 s9, $0xF7A;
	s5 =	simm.s32 @!p2 $0x0  }
0x1d: {  	s5 =	simm.s32 @p1 $0x1;
	p0 =	seq.s32 s7, s2  }
0x1e: {  	s7 =	smul.u32 @!p0 $0xF7A, s2;
	p2 =	seq.s32 @!p0 s5, $0x0  }
0x1f: {  	s9 =	smul.u32 $0xF7A, s1;
	s8 =	simm.s32 @!p0 $0x1BF5;
	p2 =	por !p2, p0  }
0x20: {  	[sflag:s8] =	ssyncset.s32 @!p0 $0xFFFFF086;
	s6 =	sadd.s32 @!p0 s3, s7;
	s7 =	simm.s32 @!p0 $0x108  }
0x21: {  	s3 =	sadd.s32 s3, s9;
	s6 =	sadd.s32 @!p0 $0x88, s6;
	s7 =	simm.s32 @p2 $0x1082  }
0x22: {  	[simem:s7], [sflag:s8] =	dma.local @!p0 [hbm:s6], $0xF7A  }
0x23: {  	s9 =	sor.u32 $0xD0000000, s2;
	s6 =	simm.s32 $0x108;
	_ =	swait.ge @!p0 [sflag:s8], $0x0  }
0x24: {  	s3 =	sadd.s32 $0x88, s3;
	s6 =	simm.s32 @!p1 $0x1082;
	[sflag:s4] =	ssyncset.s32 $0xFFFFF086  }
0x25: {  	[simem:s6], [sflag:s4] =	dma.local [hbm:s3], $0xF7A  }
0x26: {  	[smem:$0x3F9E] =	sst s1;
	(tag) =	ssettag s2;
	_ =	strace s9  }
0x27: {  	s1 =	sld [smem:$0x3FAE]  }
0x28: {  	s2 =	sld [smem:$0x3FAF]  }
0x29: {  	s4 =	sld [smem:$0x3FB1]  }
0x2a: {  	p0 =	seq.s32 s5, $0x0;
	s5 =	sld [smem:$0x3FB2]  }
0x2b: {  	s6 =	sld [smem:$0x3FB3]  }
0x2c: {  	s7 =	sld [smem:$0x3FB4]  }
0x2d: {  	s3 =	simm.s32 $0x108;
	s8 =	sld [smem:$0x3FB5]  }
0x2e: {  	s3 =	simm.s32 @!p0 $0x1082;
	s9 =	sld [smem:$0x3FB6]  }
0x2f: {  	lr =	sadd.s32 s0, s3;
	s0 =	sld [smem:$0x3FAD]  }
0x30: {  	s3 =	sld [smem:$0x3FB0]  }
0x31: {  	[smem:$0x3FB9] =	sst s10  }
0x32: {  	s10 =	sld [smem:$0x3FB7];
	_ =	sdelay $0x3  }
0x33: {  	p0 =	seq.s32 s10, $0x1;
	s10 =	sld [smem:$0x3FB9];
	_ =	sdelay $0x3  }
0x34: {  	[smem:$0x3FB9] =	sst s10  }
0x35: {  	s10 =	sld [smem:$0x3FB8];
	_ =	sdelay $0x3  }
0x36: {  	p1 =	seq.s32 s10, $0x1;
	s10 =	sld [smem:$0x3FB9];
	_ =	sdelay $0x3  }
0x37: {  	[smem:$0x3FB9] =	sst s10  }
0x38: {  	s10 =	sld [smem:$0x3FBA]  }
0x39: {  	_ = 	snop;
	(pc) =	sbr.ind lr, $3  }
0x3a: {  	_ = 	snop  }
0x3b: {  	_ = 	snop  }
0x3c: {  	p2 =	seq.s32 s10, $0x1;
	s10 =	sld [smem:$0x3FB9]  }
0x3d: {  	_ =	shalt  }
0x3e: {  	_ =	shalt  }
0x3f: {  	_ =	shalt  }
0x40: {  	_ =	shalt  }
0x41: {  	_ =	shalt  }
0x42: {  	_ =	shalt  }
0x43: {  	_ =	shalt  }
0x44: {  	_ =	shalt  }
0x45: {  	_ =	shalt  }
0x46: {  	_ =	shalt  }
0x47: {  	_ =	shalt  }
0x48: {  	_ =	shalt  }
0x49: {  	_ =	shalt  }
0x4a: {  	_ =	shalt  }
0x4b: {  	_ =	shalt  }
0x4c: {  	_ =	shalt  }
0x4d: {  	_ =	shalt  }
0x4e: {  	_ =	shalt  }
0x4f: {  	_ =	shalt  }
0x50: {  	_ =	shalt  }
0x51: {  	_ =	shalt  }
0x52: {  	_ =	shalt  }
0x53: {  	_ =	shalt  }
0x54: {  	_ =	shalt  }
0x55: {  	_ =	shalt  }
0x56: {  	_ =	shalt  }
0x57: {  	_ =	shalt  }
0x58: {  	_ =	shalt  }
0x59: {  	_ =	shalt  }
0x5a: {  	_ =	shalt  }
0x5b: {  	_ =	shalt  }
0x5c: {  	_ =	shalt  }
0x5d: {  	_ =	shalt  }
0x5e: {  	_ =	shalt  }
0x5f: {  	_ =	shalt  }
0x60: {  	_ =	shalt  }
0x61: {  	_ =	shalt  }
0x62: {  	_ =	shalt  }
0x63: {  	_ =	shalt  }
0x64: {  	_ =	shalt  }
0x65: {  	_ =	shalt  }
0x66: {  	_ =	shalt  }
0x67: {  	_ =	shalt  }
0x68: {  	_ =	shalt  }
0x69: {  	_ =	shalt  }
0x6a: {  	_ =	shalt  }
0x6b: {  	_ =	shalt  }
0x6c: {  	_ =	shalt  }
0x6d: {  	_ =	shalt  }
0x6e: {  	_ =	shalt  }
0x6f: {  	_ =	shalt  }
0x70: {  	_ =	shalt  }
0x71: {  	_ =	shalt  }
0x72: {  	_ =	shalt  }
0x73: {  	_ =	shalt  }
0x74: {  	_ =	shalt  }
0x75: {  	_ =	shalt  }
0x76: {  	_ =	shalt  }
0x77: {  	_ =	shalt  }
0x78: {  	_ =	shalt  }
0x79: {  	_ =	shalt  }
0x7a: {  	_ =	shalt  }
0x7b: {  	_ =	shalt  }
0x7c: {  	_ =	shalt  }
0x7d: {  	_ =	shalt  }
0x7e: {  	_ =	shalt  }
0x7f: {  	_ =	shalt  }
0x80: {  	_ =	shalt  }
0x81: {  	_ =	shalt  }
0x82: {  	_ =	shalt  }
0x83: {  	_ =	shalt  }
0x84: {  	_ =	shalt  }
0x85: {  	_ =	shalt  }
0x86: {  	_ =	shalt  }
0x87: {  	_ =	shalt  }
.Lfunc_end0:
.L_simem_size_0:
called_computation_lowered:
.L_overlay_start_0:
0x88: {  	s2 =	sld [smem:$0x3FD9]  }
0x89: {  	s3 =	sld [smem:$0x3FFE];
	_ =	sdelay $0x1  }
0x8a: {  	s1 =	srdreg.scid  }
0x8b: {  	s0 =	sand.u32 $0x1, s1  }
0x8c: {  	s17 =	sshll.u32 s0, $0xA;
	s2 =	sadd.s32 s3, s2  }
0x8d: {  	s2 =	sadd.s32 s2, s17  }
0x8e: {  	[smem:$0x3FC5] =	sst s2  }
0x8f: {  	_ = 	snop  }
0x90: {  	s2 =	sld [smem:$0x3FC9]  }
0x91: {  	s18 =	sld [smem:$0x3FC8];
	(tm) =	ssettm $0x1  }
0x92: {  	s4 =	sld [smem:$0x3FFB];
	_ =	sdelay $0x3  }
0x93: {  	_ =	strace s4  }
0x94: {  	s4 =	sld [smem:$0x3FFC];
	_ =	sdelay $0x3  }
0x95: {  	_ =	strace s4  }
0x96: {  	s4 =	sld [smem:$0x3FFD];
	_ =	sdelay $0x3  }
0x97: {  	_ =	strace s4  }
0x98: {  	_ =	strace $0x8FFFFFFF  }
0x99: {  	s19 =	sld [smem:$0x3FDB];
	_ =	sdelay $0x1  }
0x9a: {  	s5 =	simm.s32 $_scs_section_size  }
0x9b: {  	s6 =	simm.s32 $_size__tile_overlayer_lowered;
	s7 =	simm.s32 $_tile_overlayer_lowered  }
0x9c: {  	s22 =	simm.s32 $0x1BFF;
	s21 =	sshll.u32 s7, $0x1;
	s4 =	sadd.s32 s5, s19  }
0x9d: {  	s8 =	simm.s32 $0x0;
	s20 =	sshll.u32 s6, $0x1;
	s6 =	sadd.s32 s21, s4  }
0x9e: {  	[timem:s8], [sflag:s22] =	dma.local [hbm:s6], s20  }
0x9f: {  	_ =	swait.ge [sflag:s22], s20  }
0xa0: {  	s5 =	ssub.s32 $0x0, s20;
	[sflag:s22] =	ssyncset.done $0x0  }
0xa1: {  	[sflag:s22] =	ssyncadd.s32 s5;
	_ =	sdelay $0x1  }
0xa2: {  	s23 =	simm.s32 $0x1B8B  }
0xa3: {  	_ =	swait.ge [sflag:s23], $0x1  }
0xa4: {  	[sflag:s23] =	ssyncset.done $0x0  }
0xa5: {  	s25 =	simm.s32 $0x1B8E;
	s24 =	sld [smem:$0x3FFE];
	[sflag:s23] =	ssyncadd.s32 $0xFFFFFFFF  }
0xa6: {  	s26 =	simm.s32 $execute0_lowered;
	[smem:$0x3FD2] =	sst s25  }
0xa7: {  	s6 =	sshll.u32 s26, $0x1;
	_ =	strace $0x80000046;
	[dreg:$0x1] =	wrdreg $0xFFFFFFFF  }
0xa8: {  	s28 =	simm.s32 $_size_execute0_lowered;
	s4 =	sadd.s32 s4, s6;
	[dreg:$0x0] =	wrdreg $0x0  }
0xa9: {  	s6 =	sshll.u32 s28, $0x1;
	[dreg:$0x2] =	wrdreg s4  }
0xaa: {  	[dreg:$0x3] =	wrdreg s6  }
0xab: {  	[dreg:$0x4] =	wrdreg $0xC0  }
0xac: {  	_ =	task [dreg:s8], $0x5FFFF  }
0xad: {  	[dreg:$0x1] =	wrdreg $0xFFFFFFFF  }
0xae: {  	[dreg:$0x0] =	wrdreg $0x60  }
0xaf: {  	[dreg:$0x2] =	wrdreg s18  }
0xb0: {  	[dreg:$0x3] =	wrdreg s2  }
0xb1: {  	[dreg:$0x4] =	wrdreg s24  }
0xb2: {  	[dreg:$0x5] =	wrdreg $0x9  }
0xb3: {  	_ =	task.clear_ibuf [dreg:s8], $0x6FFFF;
	_ =	strace $0x90000046  }
0xb4: {  	s29 =	simm.s32 $0x9;
	_ =	strace $0x80000048  }
0xb5: {  	_ =	swait.ge [sflag:s29], $0x1  }
0xb6: {  	[sflag:s29] =	ssyncadd.s32 $0xFFFFFFFF  }
0xb7: {  	_ =	strace $0x90000048  }
0xb8: {  	_ =	sfence  }
0xb9: {  	s30 =	sld [smem:$0x0];
	_ =	sdelay $0x2  }
0xba: {  	s31 =	sshll.u32 s1, $0xD;
	s1 =	sshrl.u32 s1, $0x2  }
0xbb: {  	s3 =	sand.u32 $0x4000, s31;
	s1 =	sadd.s32 s1, s30  }
0xbc: {  	s0 =	sor.u32 s3, s0;
	s1 =	sshll.u32 s1, $0x11  }
0xbd: {  	s0 =	sor.u32 s1, s0  }
0xbe: {  	s0 =	sadd.s32 $0x8F2B, s0  }
0xbf: {  	[sflag:s0] =	ssyncadd.remote.s32 $0x1  }
0xc0: {  	_ =	sfence.sel $0xFFFF  }
0xc1: {  	[dreg:$0x0] =	wrdreg $0xFFFFFFFF;
	(pc) =	sbr.abs _section_cstart, $3  }
0xc2: {  	[dreg:$0x1] =	wrdreg $0xFFFFFFFF  }
0xc3: {  	_ =	task.clear_ibuf [dreg:s8], $0x2FFFF;
	_ =	strace $0x9FFFFFFF  }
0xc4: {  	(tm) =	ssettm $0x7FFFFFFF  }
0xc5: {  	_ =	shalt  }
tec
execute0_lowered:
.L_overlay_start_1:
0x0: {  	(tag) =	ssettag $0x1  }
0x1: {  	s1 =	rddreg [dreg:$0x0]  }
0x2: {  	s4 =	rddreg [dreg:$0x1]  }
0x3: {  	s2 =	srdreg.scid;
	s5 =	rddreg [dreg:$0x2];
	s3 =	simm.s32 $0x0  }
0x4: {  	s0 =	stileid.u32;
	s17 =	simm.s32 $0x880;
	[smem:$0x7FF] =	sst s3  }
0x5: {  	s18 =	simm.s32 $0x1080;
	_ =	strace $0x80000047;
	[dreg:$0x6] =	wrdreg s17  }
0x6: {  	s19 =	simm.s32 $0x1880;
	s20 =	simm.s32 $0x2080;
	[dreg:$0x7] =	wrdreg s18  }
0x7: {  	s22 =	simm.s32 $0x2880;
	s23 =	simm.s32 $0x3080;
	[dreg:$0x8] =	wrdreg s19  }
0x8: {  	s24 =	simm.s32 $0x3880;
	s25 =	simm.s32 $0x4080;
	[dreg:$0x9] =	wrdreg s20  }
0x9: {  	s8 =	simm.s32 $0x4880;
	s9 =	simm.s32 $0x5080;
	[dreg:$0xa] =	wrdreg s22  }
0xa: {  	s10 =	simm.s32 $0x5880;
	s11 =	simm.s32 $0x6080;
	[dreg:$0xb] =	wrdreg s23  }
0xb: {  	s12 =	simm.s32 $0x6880;
	s26 =	simm.s32 $0x7080;
	[dreg:$0xc] =	wrdreg s24  }
0xc: {  	s13 =	simm.s32 $0x80;
	s15 =	simm.s32 $0x8080;
	[dreg:$0xd] =	wrdreg s25  }
0xd: {  	s28 =	simm.s32 $0xE080;
	s29 =	simm.s32 $0xE880;
	[dreg:$0xe] =	wrdreg s8  }
0xe: {  	s30 =	simm.s32 $0xF080;
	s31 =	simm.s32 $0xF880;
	[dreg:$0xf] =	wrdreg s9  }
0xf: {  	s2 =	sand.u32 $0x1, s2;
	s6 =	sshll.u32 s0, $0x6;
	[dreg:$0x10] =	wrdreg s10  }
0x10: {  	s7 =	sshll.u32 s2, $0x5;
	s2 =	ssub.s32 $0x2, s2;
	[dreg:$0x11] =	wrdreg s11  }
0x11: {  	s8 =	sadd.s32 $0x500, s1;
	s9 =	sadd.s32 $0x600, s1;
	[dreg:$0x12] =	wrdreg s12  }
0x12: {  	s10 =	sadd.s32 $0x700, s1;
	s12 =	simm.s32 $0x2;
	[dreg:$0x13] =	wrdreg s26  }
0x13: {  	s17 =	simm.s32 $0x9080;
	s18 =	simm.s32 $0x9880;
	s19 =	simm.s32 $0xA080  }
0x14: {  	s20 =	simm.s32 $0xA880;
	s22 =	simm.s32 $0xB880;
	s23 =	simm.s32 $0xC080  }
0x15: {  	s24 =	simm.s32 $0xC880;
	s25 =	simm.s32 $0xD080;
	s6 =	sor.u32 s7, s6  }
0x16: {  	s26 =	simm.s32 $0xD880;
	s21 =	sshrl.u32 s2, $0x1;
	s7 =	sshll.u32 s6, $0x8  }
0x17: {  	s6 =	sshrl.u32 s6, $0x3;
	s2 =	ssub.s32 s2, s21;
	s21 =	simm.s32 $0xB080  }
0x18: {  	s5 =	sadd.s32 s7, s5;
	s4 =	sadd.s32 s4, s6;
	s6 =	sadd.s32 $0x300, s1  }
0x19: {  	v2 =	vlaneseq.u32;
	s7 =	sadd.s32 $0x400, s1;
	s11 =	smax.u32 s2, $0x1;
	s2 =	simm.s32 $0x1  }
0x1a: {  	vm0 =	vmmov $0xffff;
	v1 =	vshrl.u32 v2, $0x3;
	[dreg:$0x4] =	wrdreg s4;
	s16 =	sadd.s32 $0x800, s5;
	s4 =	sadd.s32 $0x100, s1  }
0x1b: {  	v0 =	vand.u32 $0x7, v2;
	v2 =	vor.u32 $0x8, v2;
	v1 =	vmul.u32 $0x8, v1;
	s5 =	sadd.s32 $0x200, s1;
	[dreg:$0x5] =	wrdreg s16;
	s16 =	simm.s32 $0x8880  }
.LBB2_1:
0x1c: {  	s0 =	rddreg [dreg:$0x4]  }
0x1d: {  	[tilespmem:s3], [sflag:$0x2] =	stream.linear.gather [hbm4b:s0+s3], $0x20, $0x38;
	[tilespmem:$0x10080] =	vst v63  }
0x1e: {  	_ =	swait.ge [sflag:s12], $0x20  }
0x1f: {  	[sflag:s12] =	ssyncset.done $0x0  }
0x20: {  	[sflag:s12] =	ssyncadd.s32 $0xFFFFFFE0  }
0x21: {  	v3 =	vld [tilespmem:$0x0];
	_ =	sdelay $0x4  }
0x22: {  	v4 =	vshll.u32 v3, $0x4  }
0x23: {  	v3 =	vand.u32 $0x7, v3;
	v4 =	vand.u32 $0xFFFFFF80, v4  }
0x24: {  	v3 =	vor.u32 v3, v4  }
0x25: {  	v4 =	vperm.xlane v3, v0;
	_ =	sdelay $0x1  }
0x26: {  	v4 =	vadd.s32 v1, v4;
	_ =	sdelay $0x4  }
0x27: {  	[tilespmem:s13], [sflag:$0x1] =	stream.indirect_vreg.gather [hbm4b:s1+s3], $0x80, v4, vm0, $0xb8;
	[tilespmem:$0x10080] =	vst v63  }
0x28: {  	s0 =	rddreg [dreg:$0x6]  }
0x29: {  	[tilespmem:s0], [sflag:$0x1] =	stream.indirect_vreg.gather [hbm4b:s4+s3], $0x80, v4, vm0, $0xb8;
	[tilespmem:$0x10080] =	vst v63  }
0x2a: {  	s14 =	rddreg [dreg:$0x7]  }
0x2b: {  	[tilespmem:s14], [sflag:$0x1] =	stream.indirect_vreg.gather [hbm4b:s5+s3], $0x80, v4, vm0, $0xb8;
	[tilespmem:$0x10080] =	vst v63  }
0x2c: {  	s0 =	rddreg [dreg:$0x8]  }
0x2d: {  	[tilespmem:s0], [sflag:$0x1] =	stream.indirect_vreg.gather [hbm4b:s6+s3], $0x80, v4, vm0, $0xb8;
	[tilespmem:$0x10080] =	vst v63  }
0x2e: {  	s14 =	rddreg [dreg:$0x9]  }
0x2f: {  	[tilespmem:s14], [sflag:$0x1] =	stream.indirect_vreg.gather [hbm4b:s7+s3], $0x80, v4, vm0, $0xb8;
	[tilespmem:$0x10080] =	vst v63  }
0x30: {  	v3 =	vperm.xlane v3, v2;
	s0 =	rddreg [dreg:$0xa]  }
0x31: {  	[tilespmem:s0], [sflag:$0x1] =	stream.indirect_vreg.gather [hbm4b:s8+s3], $0x80, v4, vm0, $0xb8;
	[tilespmem:$0x10080] =	vst v63  }
0x32: {  	v3 =	vadd.s32 v1, v3;
	s14 =	rddreg [dreg:$0xb]  }
0x33: {  	[tilespmem:s14], [sflag:$0x1] =	stream.indirect_vreg.gather [hbm4b:s9+s3], $0x80, v4, vm0, $0xb8;
	[tilespmem:$0x10080] =	vst v63  }
0x34: {  	s0 =	rddreg [dreg:$0xc]  }
0x35: {  	[tilespmem:s0], [sflag:$0x1] =	stream.indirect_vreg.gather [hbm4b:s10+s3], $0x80, v4, vm0, $0xb8;
	[tilespmem:$0x10080] =	vst v63  }
0x36: {  	s14 =	rddreg [dreg:$0xd]  }
0x37: {  	[tilespmem:s14], [sflag:$0x1] =	stream.indirect_vreg.gather [hbm4b:s1+s3], $0x80, v3, vm0, $0xb8;
	[tilespmem:$0x10080] =	vst v63  }
0x38: {  	s0 =	rddreg [dreg:$0xe]  }
0x39: {  	[tilespmem:s0], [sflag:$0x1] =	stream.indirect_vreg.gather [hbm4b:s4+s3], $0x80, v3, vm0, $0xb8;
	[tilespmem:$0x10080] =	vst v63  }
0x3a: {  	s14 =	rddreg [dreg:$0xf]  }
0x3b: {  	[tilespmem:s14], [sflag:$0x1] =	stream.indirect_vreg.gather [hbm4b:s5+s3], $0x80, v3, vm0, $0xb8;
	[tilespmem:$0x10080] =	vst v63  }
0x3c: {  	s0 =	rddreg [dreg:$0x10]  }
0x3d: {  	[tilespmem:s0], [sflag:$0x1] =	stream.indirect_vreg.gather [hbm4b:s6+s3], $0x80, v3, vm0, $0xb8;
	[tilespmem:$0x10080] =	vst v63  }
0x3e: {  	s14 =	rddreg [dreg:$0x11]  }
0x3f: {  	[tilespmem:s14], [sflag:$0x1] =	stream.indirect_vreg.gather [hbm4b:s7+s3], $0x80, v3, vm0, $0xb8;
	[tilespmem:$0x10080] =	vst v63  }
0x40: {  	s0 =	rddreg [dreg:$0x12]  }
0x41: {  	[tilespmem:s0], [sflag:$0x1] =	stream.indirect_vreg.gather [hbm4b:s8+s3], $0x80, v3, vm0, $0xb8;
	[tilespmem:$0x10080] =	vst v63  }
0x42: {  	s14 =	rddreg [dreg:$0x13]  }
0x43: {  	[tilespmem:s14], [sflag:$0x1] =	stream.indirect_vreg.gather [hbm4b:s9+s3], $0x80, v3, vm0, $0xb8;
	[tilespmem:$0x10080] =	vst v63  }
0x44: {  	s14 =	simm.s32 $0x7880  }
0x45: {  	[tilespmem:s14], [sflag:$0x1] =	stream.indirect_vreg.gather [hbm4b:s10+s3], $0x80, v3, vm0, $0xb8;
	[tilespmem:$0x10080] =	vst v63  }
0x46: {  	v3 =	vld [tilespmem:$0x10];
	_ =	sdelay $0x4  }
0x47: {  	v63 =	vshll.u32 v3, $0x4  }
0x48: {  	v3 =	vand.u32 $0x7, v3;
	v4 =	vand.u32 $0xFFFFFF80, v63  }
0x49: {  	v3 =	vor.u32 v3, v4  }
0x4a: {  	v4 =	vperm.xlane v3, v0;
	_ =	sdelay $0x1  }
0x4b: {  	v4 =	vadd.s32 v1, v4;
	_ =	sdelay $0x4  }
0x4c: {  	[tilespmem:s15], [sflag:$0x1] =	stream.indirect_vreg.gather [hbm4b:s1+s3], $0x80, v4, vm0, $0xb8;
	[tilespmem:$0x10080] =	vst v63  }
0x4d: {  	_ = 	snop  }
0x4e: {  	[tilespmem:s16], [sflag:$0x1] =	stream.indirect_vreg.gather [hbm4b:s4+s3], $0x80, v4, vm0, $0xb8;
	[tilespmem:$0x10080] =	vst v63  }
0x4f: {  	_ = 	snop  }
0x50: {  	[tilespmem:s17], [sflag:$0x1] =	stream.indirect_vreg.gather [hbm4b:s5+s3], $0x80, v4, vm0, $0xb8;
	[tilespmem:$0x10080] =	vst v63  }
0x51: {  	_ = 	snop  }
0x52: {  	[tilespmem:s18], [sflag:$0x1] =	stream.indirect_vreg.gather [hbm4b:s6+s3], $0x80, v4, vm0, $0xb8;
	[tilespmem:$0x10080] =	vst v63  }
0x53: {  	_ = 	snop  }
0x54: {  	[tilespmem:s19], [sflag:$0x1] =	stream.indirect_vreg.gather [hbm4b:s7+s3], $0x80, v4, vm0, $0xb8;
	[tilespmem:$0x10080] =	vst v63  }
0x55: {  	v3 =	vperm.xlane v3, v2  }
0x56: {  	[tilespmem:s20], [sflag:$0x1] =	stream.indirect_vreg.gather [hbm4b:s8+s3], $0x80, v4, vm0, $0xb8;
	[tilespmem:$0x10080] =	vst v63  }
0x57: {  	v3 =	vadd.s32 v1, v3  }
0x58: {  	[tilespmem:s21], [sflag:$0x1] =	stream.indirect_vreg.gather [hbm4b:s9+s3], $0x80, v4, vm0, $0xb8;
	[tilespmem:$0x10080] =	vst v63  }
0x59: {  	_ = 	snop  }
0x5a: {  	[tilespmem:s22], [sflag:$0x1] =	stream.indirect_vreg.gather [hbm4b:s10+s3], $0x80, v4, vm0, $0xb8;
	[tilespmem:$0x10080] =	vst v63  }
0x5b: {  	_ = 	snop  }
0x5c: {  	[tilespmem:s23], [sflag:$0x1] =	stream.indirect_vreg.gather [hbm4b:s1+s3], $0x80, v3, vm0, $0xb8;
	[tilespmem:$0x10080] =	vst v63  }
0x5d: {  	_ = 	snop  }
0x5e: {  	[tilespmem:s24], [sflag:$0x1] =	stream.indirect_vreg.gather [hbm4b:s4+s3], $0x80, v3, vm0, $0xb8;
	[tilespmem:$0x10080] =	vst v63  }
0x5f: {  	_ = 	snop  }
0x60: {  	[tilespmem:s25], [sflag:$0x1] =	stream.indirect_vreg.gather [hbm4b:s5+s3], $0x80, v3, vm0, $0xb8;
	[tilespmem:$0x10080] =	vst v63  }
0x61: {  	_ = 	snop  }
0x62: {  	[tilespmem:s26], [sflag:$0x1] =	stream.indirect_vreg.gather [hbm4b:s6+s3], $0x80, v3, vm0, $0xb8;
	[tilespmem:$0x10080] =	vst v63  }
0x63: {  	_ = 	snop  }
0x64: {  	[tilespmem:s28], [sflag:$0x1] =	stream.indirect_vreg.gather [hbm4b:s7+s3], $0x80, v3, vm0, $0xb8;
	[tilespmem:$0x10080] =	vst v63  }
0x65: {  	_ = 	snop  }
0x66: {  	[tilespmem:s29], [sflag:$0x1] =	stream.indirect_vreg.gather [hbm4b:s8+s3], $0x80, v3, vm0, $0xb8;
	[tilespmem:$0x10080] =	vst v63  }
0x67: {  	_ = 	snop  }
0x68: {  	[tilespmem:s30], [sflag:$0x1] =	stream.indirect_vreg.gather [hbm4b:s9+s3], $0x80, v3, vm0, $0xb8;
	[tilespmem:$0x10080] =	vst v63  }
0x69: {  	_ = 	snop  }
0x6a: {  	[tilespmem:s31], [sflag:$0x1] =	stream.indirect_vreg.gather [hbm4b:s10+s3], $0x80, v3, vm0, $0xb8;
	[tilespmem:$0x10080] =	vst v63  }
0x6b: {  	_ =	swait.ge [sflag:s2], $0x10000  }
0x6c: {  	p0 =	sne.s32 s11, $0x1;
	[sflag:s2] =	ssyncset.done $0x0  }
.Ltmp0:
0x6d: {  	s14 =	rddreg [dreg:$0x5];
	[sflag:s2] =	ssyncadd.s32 $0xFFFF0000;
	(pc) =	sbr.rel @p0 .LBB2_1-.Ltmp0, $4  }
0x6e: {  	[hbm4b:s14+s3] =	stream.linear.scatter [tilespmem:s13], [sflag:$0x2], $0x10000, $0x38;
	[tilespmem:$0x10080] =	vst v63  }
0x6f: {  	_ =	swait.ge [sflag:s12], $0x10000  }
0x70: {  	[sflag:s12] =	ssyncset.done $0x0  }
0x71: {  	s11 =	sadd.s32 $0xFFFFFFFF, s11;
	[sflag:s12] =	ssyncadd.s32 $0xFFFF0000  }
0x72: {  	_ =	sfence.sel $0x180000  }
0x73: {  	[bflag:$0x0] =	sbarrier.arrive $0xFFFF  }
0x74: {  	_ =	strace $0x90000047  }
0x75: {  	s0 =	stileid.u32;
	[bflag:$0x2] =	sbarrier.arrive $0xFFFF  }
0x76: {  	p0 =	sne.s32 s0, $0x0;
	s0 =	rddreg [dreg:$0x3]  }
0x77: {  	s0 =	sadd.s32 @!p0 $0x100000, s0  }
0x78: {  	[sflag:s0] =	ssyncadd.tile.s32 @!p0 $0x1;
	_ =	shalt  }
.Lfunc_end2:
_tile_overlayer_lowered:
.L_overlay_start_2:
0x79: {  	(tag) =	ssettag $0x2  }
0x7a: {  	s0 =	rddreg [dreg:$0x0];
	s2 =	stileid.u32  }
0x7b: {  	s1 =	rddreg [dreg:$0x1];
	p0 =	sne.s32 s2, $0x0  }
0x7c: {  	s3 =	rddreg [dreg:$0x2];
	[bflag:$0x3] =	sbarrier.arrive $0xFFFF;
	s2 =	simm.s32 @!p0 $0x1C02  }
0x7d: {  	[timem:s3], [sflag:s2] =	dma.local @!p0 [hbm:s0], s1  }
0x7e: {  	s0 =	simm.s32 @!p0 $0x2  }
0x7f: {  	_ =	swait.ge @!p0 [sflag:s0], s1  }
0x80: {  	s1 =	ssub.s32 @!p0 $0x0, s1;
	[sflag:s0] =	ssyncset.done @!p0 $0x0  }
0x81: {  	[sflag:s0] =	ssyncadd.s32 @!p0 s1  }
0x82: {  	[bflag:$0x3] =	sbarrier.arrive $0xFFFF  }
0x83: {  	_ =	shalt  }

</sc_bundles>
